<compile_context>
chip_gen: v7x
topology: tpu7x:2x2x1
jax: 0.10.2.dev20260603
libtpu: 0.0.44.dev20260713+nightly
codegen_flags: <defaults>
</compile_context>

<pallas_src>
import functools

import jax
import jax.numpy as jnp
from jax import lax
from jax.experimental import pallas as pl
from jax.experimental.pallas import tpu as pltpu
from jax.experimental.pallas import tpu_sc as plsc

VOCAB = 8192
D = 8192
K = 4
NBUF = 3
LOOK = 2


def _body(x_hbm, table_hbm, out_hbm, idx_v, *rest, nchunks, seq):
    bufs = rest[:NBUF]
    gsems = rest[NBUF:2 * NBUF]
    ssems = rest[2 * NBUF:3 * NBUF]
    W = NBUF - LOOK

    cid = lax.axis_index("c")
    sid = lax.axis_index("s")
    wid = sid * 2 + cid
    base = wid * nchunks
    wpb = seq // (nchunks * K)
    b_out = wid // wpb
    s_base = (wid % wpb) * (nchunks * K)

    pltpu.sync_copy(x_hbm.at[pl.ds(base, nchunks)], idx_v)

    def gather(j, b):
        return pltpu.make_async_copy(
            table_hbm.at[idx_v.at[j]], bufs[b], gsems[b])

    def scatter(j, b):
        return pltpu.make_async_copy(
            bufs[b], out_hbm.at[b_out, pl.ds(s_base + j * K, K)], ssems[b])

    for j in range(LOOK):
        gather(j, j % NBUF).start()

    def chunk_step(j, b, jg=None):
        jj = j if jg is None else jg
        gather(jj, b).wait()
        scatter(jj, b).start()
        scatter(jj - W, (b + LOOK) % NBUF).wait()
        gather(jj + LOOK, (b + LOOK) % NBUF).start()

    for j in range(NBUF):
        b = j % NBUF
        if j >= W:
            chunk_step(j, b)
        else:
            gather(j, b).wait()
            scatter(j, b).start()
            gather(j + LOOK, (b + LOOK) % NBUF).start()

    ngroups = nchunks // NBUF
    rem = nchunks - ngroups * NBUF

    def step(g, carry):
        j0 = g * NBUF
        for b in range(NBUF):
            chunk_step(b, b, jg=j0 + b)
        return carry

    nsteady = ngroups if rem >= LOOK else ngroups - 1
    lax.fori_loop(1, nsteady, step, 0)

    for j in range(nsteady * NBUF, nchunks):
        b = j % NBUF
        if j + LOOK < nchunks:
            chunk_step(j, b)
        else:
            gather(j, b).wait()
            scatter(j, b).start()

    for b in range(NBUF):
        scatter(0, b).wait()


def kernel(x, table):
    B, S = x.shape
    n = B * S
    info = plsc.get_sparse_core_info()
    nw = info.num_cores * info.num_subcores
    nchunks = n // (nw * K)

    xf = x.reshape(nw * nchunks, K).astype(jnp.int32)

    mesh = plsc.VectorSubcoreMesh(core_axis_name="c", subcore_axis_name="s")
    out = pl.kernel(
        functools.partial(_body, nchunks=nchunks, seq=S),
        out_type=jax.ShapeDtypeStruct((B, S, D), jnp.float32),
        mesh=mesh,
        scratch_types=(
            [pltpu.VMEM((nchunks, K), jnp.int32)]
            + [pltpu.VMEM((K, D), jnp.float32)] * NBUF
            + [pltpu.SemaphoreType.DMA] * (2 * NBUF)
        ),
    )(xf, table)
    return out

# --- scband reference (transcript-rebuilt; emitter-appended) ---
"""Pipeline reference for scband-bigram-language-model-89464168775739 (READ-ONLY COPY).

The authoritative reference and input builder live on the scoring server;
editing this copy changes nothing except your own understanding.
"""

import jax, jax.numpy as jnp
import numpy as np

VOCAB = 8192
B, S = 8, 2048

def setup_inputs(seed: int = 0) -> dict:
    key = jax.random.key(seed)
    k_idx, k_tab = jax.random.split(key)
    x = jax.random.randint(k_idx, (B, S), 0, VOCAB, dtype=jnp.int64) if jax.config.jax_enable_x64 else jax.random.randint(k_idx, (B, S), 0, VOCAB, dtype=jnp.int32)
    table = jax.random.normal(k_tab, (VOCAB, VOCAB), dtype=jnp.float32)
    return {"x": x, "table": table}

def reference(x, table):
    # BigramLanguageModel.forward: logits = self.table(x)
    logits = jnp.take(table, x, axis=0)
    return logits

if __name__ == "__main__":
    import jax
    _d = setup_inputs()
    print(jax.jit(kernel)(*tuple(_d.values())))

</pallas_src>

<mosaic_0001>
#map = affine_map<(d0, d1) -> (0, 0)>
#map1 = affine_map<(d0, d1) -> (0, 0, 0)>
module attributes {stable_mosaic.version = 14 : i64} {
  func.func @_body(%arg0: i32, %arg1: i32, %arg2: memref<4096x4xi32, #tpu.memory_space<hbm>>, %arg3: memref<8192x8192xf32, #tpu.memory_space<hbm>>, %arg4: memref<8x2048x8192xf32, #tpu.memory_space<hbm>>, %arg5: memref<128x4xi32, #tpu.memory_space<vmem>>, %arg6: memref<4x8192xf32, #tpu.memory_space<vmem>>, %arg7: memref<4x8192xf32, #tpu.memory_space<vmem>>, %arg8: memref<4x8192xf32, #tpu.memory_space<vmem>>, %arg9: memref<!tpu.dma_semaphore, #tpu.memory_space<semaphore_mem>>, %arg10: memref<!tpu.dma_semaphore, #tpu.memory_space<semaphore_mem>>, %arg11: memref<!tpu.dma_semaphore, #tpu.memory_space<semaphore_mem>>, %arg12: memref<!tpu.dma_semaphore, #tpu.memory_space<semaphore_mem>>, %arg13: memref<!tpu.dma_semaphore, #tpu.memory_space<semaphore_mem>>, %arg14: memref<!tpu.dma_semaphore, #tpu.memory_space<semaphore_mem>>) attributes {dimension_semantics = [#tpu.dimension_semantics<core_parallel>, #tpu.dimension_semantics<subcore_parallel>], iteration_bounds = array<i64: 2, 16>, scalar_prefetch = 0 : i64, scratch_operands = 10 : i64, tpu.core_type = #tpu.core_type<sc_vector_subcore>, window_params = [{transform_indices = #map}, {transform_indices = #map}, {transform_indices = #map1}]} {
    %mul3A = arith.constant 2 : i32
    %mul3A_0 = arith.muli %arg1, %mul3A : i32
    %add3A = arith.addi %mul3A_0, %arg0 : i32
    %mul3A_1 = arith.constant 128 : i32
    %mul3A_2 = arith.muli %add3A, %mul3A_1 : i32
    %jit3A = arith.constant 4 : i32
    %div3A = arith.divsi %add3A, %jit3A : i32
    %sign3A = arith.constant 0 : i32
    %sign3A_3 = arith.cmpi sgt, %add3A, %sign3A : i32
    %sign3A_4 = arith.extui %sign3A_3 : i1 to i32
    %sign3A_5 = arith.constant 0 : i32
    %sign3A_6 = arith.cmpi slt, %add3A, %sign3A_5 : i32
    %sign3A_7 = arith.extui %sign3A_6 : i1 to i32
    %sign3A_8 = arith.subi %sign3A_4, %sign3A_7 : i32
    %sign3A_9 = arith.constant 0 : i32
    %sign3A_10 = arith.cmpi sgt, %jit3A, %sign3A_9 : i32
    %sign3A_11 = arith.extui %sign3A_10 : i1 to i32
    %sign3A_12 = arith.constant 0 : i32
    %sign3A_13 = arith.cmpi slt, %jit3A, %sign3A_12 : i32
    %sign3A_14 = arith.extui %sign3A_13 : i1 to i32
    %sign3A_15 = arith.subi %sign3A_11, %sign3A_14 : i32
    %ne3A = arith.cmpi ne, %sign3A_8, %sign3A_15 : i32
    %rem3A = arith.remsi %add3A, %jit3A : i32
    %ne3A_16 = arith.constant 0 : i32
    %ne3A_17 = arith.cmpi ne, %rem3A, %ne3A_16 : i32
    %and3A = arith.andi %ne3A, %ne3A_17 : i1
    %sub3A = arith.constant 1 : i32
    %sub3A_18 = arith.subi %div3A, %sub3A : i32
    %select_n3A = arith.select %and3A, %sub3A_18, %div3A : i32
    %jit3A_19 = arith.constant 4 : i32
    %eq3A = arith.constant 0 : i32
    %eq3A_20 = arith.cmpi eq, %jit3A_19, %eq3A : i32
    %jit3A_21 = arith.constant 1 : i32
    %select_n3A_22 = arith.select %eq3A_20, %jit3A_21, %jit3A_19 : i32
    %rem3A_23 = arith.remsi %add3A, %select_n3A_22 : i32
    %ne3A_24 = arith.constant 0 : i32
    %ne3A_25 = arith.cmpi ne, %rem3A_23, %ne3A_24 : i32
    %lt3A = arith.constant 0 : i32
    %lt3A_26 = arith.cmpi slt, %rem3A_23, %lt3A : i32
    %lt3A_27 = arith.constant 0 : i32
    %lt3A_28 = arith.cmpi slt, %select_n3A_22, %lt3A_27 : i32
    %ne3A_29 = arith.xori %lt3A_26, %lt3A_28 : i1
    %and3A_30 = arith.andi %ne3A_29, %ne3A_25 : i1
    %add3A_31 = arith.addi %rem3A_23, %select_n3A_22 : i32
    %select_n3A_32 = arith.select %and3A_30, %add3A_31, %rem3A_23 : i32
    %mul3A_33 = arith.constant 512 : i32
    %mul3A_34 = arith.muli %select_n3A_32, %mul3A_33 : i32
    "tpu.region"() ({
      %run_scoped3A = tpu.sem_alloc : memref<!tpu.dma_semaphore, #tpu.memory_space<semaphore_mem>>
      %dma_start3A_188 = arith.constant 0 : i32
      %dma_start3A_189 = tpu.memref_slice %arg2[%mul3A_2, %dma_start3A_188] : memref<4096x4xi32, #tpu.memory_space<hbm>> -> memref<128x4xi32, #tpu.memory_space<hbm>>
      %dma_start3A_190 = arith.constant 0 : i32
      %dma_start3A_191 = tpu.memref_slice %arg2[%mul3A_2, %dma_start3A_190] : memref<4096x4xi32, #tpu.memory_space<hbm>> -> memref<128x4xi32, #tpu.memory_space<hbm>>
      tpu.enqueue_dma source(%dma_start3A_191 : memref<128x4xi32, #tpu.memory_space<hbm>>) target(%arg5 : memref<128x4xi32, #tpu.memory_space<vmem>>) target_semaphore(%run_scoped3A : memref<!tpu.dma_semaphore, #tpu.memory_space<semaphore_mem>>)
      %dma_wait3A_192 = arith.constant 0 : i32
      %dma_wait3A_193 = tpu.memref_slice %arg2[%mul3A_2, %dma_wait3A_192] : memref<4096x4xi32, #tpu.memory_space<hbm>> -> memref<128x4xi32, #tpu.memory_space<hbm>>
      %dma_wait3A_194 = arith.constant 0 : i32
      %dma_wait3A_195 = tpu.memref_slice %arg2[%mul3A_2, %dma_wait3A_194] : memref<4096x4xi32, #tpu.memory_space<hbm>> -> memref<128x4xi32, #tpu.memory_space<hbm>>
      tpu.wait_dma2 semaphore(%run_scoped3A : memref<!tpu.dma_semaphore, #tpu.memory_space<semaphore_mem>>) src(%dma_wait3A_195 : memref<128x4xi32, #tpu.memory_space<hbm>>) dst(%arg5 : memref<128x4xi32, #tpu.memory_space<vmem>>)
      tpu.yield
    }) : () -> ()
    %dma_start3A = arith.constant 0 : i32
    %dma_start3A_35 = arith.constant 0 : i32
    %dma_start3A_36 = tpu.memref_slice %arg5[%dma_start3A, %dma_start3A_35] : memref<128x4xi32, #tpu.memory_space<vmem>> -> memref<1x4xi32, #tpu.memory_space<vmem>>
    %dma_start3A_37 = tpu.memref_squeeze %dma_start3A_36 : memref<1x4xi32, #tpu.memory_space<vmem>> -> memref<4xi32, #tpu.memory_space<vmem>>
    %dma_start3A_38 = arith.constant 0 : i32
    %dma_start3A_39 = arith.constant 0 : i32
    %dma_start3A_40 = tpu.memref_slice %arg3[%dma_start3A_38, %dma_start3A_39] : memref<8192x8192xf32, #tpu.memory_space<hbm>> -> memref<8192x8192xf32, #tpu.memory_space<hbm>>
    tpu.enqueue_indirect_dma source(%dma_start3A_40 : memref<8192x8192xf32, #tpu.memory_space<hbm>>) target(%arg6 : memref<4x8192xf32, #tpu.memory_space<vmem>>) offsets(%dma_start3A_37 : memref<4xi32, #tpu.memory_space<vmem>>) semaphore(%arg9 : memref<!tpu.dma_semaphore, #tpu.memory_space<semaphore_mem>>)
    %dma_start3A_41 = arith.constant 1 : i32
    %dma_start3A_42 = arith.constant 0 : i32
    %dma_start3A_43 = tpu.memref_slice %arg5[%dma_start3A_41, %dma_start3A_42] : memref<128x4xi32, #tpu.memory_space<vmem>> -> memref<1x4xi32, #tpu.memory_space<vmem>>
    %dma_start3A_44 = tpu.memref_squeeze %dma_start3A_43 : memref<1x4xi32, #tpu.memory_space<vmem>> -> memref<4xi32, #tpu.memory_space<vmem>>
    %dma_start3A_45 = arith.constant 0 : i32
    %dma_start3A_46 = arith.constant 0 : i32
    %dma_start3A_47 = tpu.memref_slice %arg3[%dma_start3A_45, %dma_start3A_46] : memref<8192x8192xf32, #tpu.memory_space<hbm>> -> memref<8192x8192xf32, #tpu.memory_space<hbm>>
    tpu.enqueue_indirect_dma source(%dma_start3A_47 : memref<8192x8192xf32, #tpu.memory_space<hbm>>) target(%arg7 : memref<4x8192xf32, #tpu.memory_space<vmem>>) offsets(%dma_start3A_44 : memref<4xi32, #tpu.memory_space<vmem>>) semaphore(%arg10 : memref<!tpu.dma_semaphore, #tpu.memory_space<semaphore_mem>>)
    %dma_wait3A = arith.constant 0 : i32
    %dma_wait3A_48 = arith.constant 0 : i32
    %dma_wait3A_49 = tpu.memref_slice %arg5[%dma_wait3A, %dma_wait3A_48] : memref<128x4xi32, #tpu.memory_space<vmem>> -> memref<1x4xi32, #tpu.memory_space<vmem>>
    %dma_wait3A_50 = tpu.memref_squeeze %dma_wait3A_49 : memref<1x4xi32, #tpu.memory_space<vmem>> -> memref<4xi32, #tpu.memory_space<vmem>>
    %dma_wait3A_51 = arith.constant 0 : i32
    %dma_wait3A_52 = arith.constant 0 : i32
    %dma_wait3A_53 = tpu.memref_slice %arg3[%dma_wait3A_51, %dma_wait3A_52] : memref<8192x8192xf32, #tpu.memory_space<hbm>> -> memref<8192x8192xf32, #tpu.memory_space<hbm>>
    tpu.wait_indirect_dma semaphore(%arg9 : memref<!tpu.dma_semaphore, #tpu.memory_space<semaphore_mem>>) src(%dma_wait3A_53 : memref<8192x8192xf32, #tpu.memory_space<hbm>>) dst(%arg6 : memref<4x8192xf32, #tpu.memory_space<vmem>>)
    %add3A_54 = arith.constant 0 : i32
    %add3A_55 = arith.addi %mul3A_34, %add3A_54 : i32
    %dma_start3A_56 = arith.constant 0 : i32
    %dma_start3A_57 = tpu.memref_slice %arg4[%select_n3A, %add3A_55, %dma_start3A_56] : memref<8x2048x8192xf32, #tpu.memory_space<hbm>> -> memref<1x4x8192xf32, #tpu.memory_space<hbm>>
    %dma_start3A_58 = tpu.memref_squeeze %dma_start3A_57 : memref<1x4x8192xf32, #tpu.memory_space<hbm>> -> memref<4x8192xf32, #tpu.memory_space<hbm>>
    %dma_start3A_59 = arith.constant 0 : i32
    %dma_start3A_60 = tpu.memref_slice %arg4[%select_n3A, %add3A_55, %dma_start3A_59] : memref<8x2048x8192xf32, #tpu.memory_space<hbm>> -> memref<1x4x8192xf32, #tpu.memory_space<hbm>>
    %dma_start3A_61 = tpu.memref_squeeze %dma_start3A_60 : memref<1x4x8192xf32, #tpu.memory_space<hbm>> -> memref<4x8192xf32, #tpu.memory_space<hbm>>
    tpu.enqueue_dma source(%arg6 : memref<4x8192xf32, #tpu.memory_space<vmem>>) target(%dma_start3A_61 : memref<4x8192xf32, #tpu.memory_space<hbm>>) target_semaphore(%arg12 : memref<!tpu.dma_semaphore, #tpu.memory_space<semaphore_mem>>)
    %dma_start3A_62 = arith.constant 2 : i32
    %dma_start3A_63 = arith.constant 0 : i32
    %dma_start3A_64 = tpu.memref_slice %arg5[%dma_start3A_62, %dma_start3A_63] : memref<128x4xi32, #tpu.memory_space<vmem>> -> memref<1x4xi32, #tpu.memory_space<vmem>>
    %dma_start3A_65 = tpu.memref_squeeze %dma_start3A_64 : memref<1x4xi32, #tpu.memory_space<vmem>> -> memref<4xi32, #tpu.memory_space<vmem>>
    %dma_start3A_66 = arith.constant 0 : i32
    %dma_start3A_67 = arith.constant 0 : i32
    %dma_start3A_68 = tpu.memref_slice %arg3[%dma_start3A_66, %dma_start3A_67] : memref<8192x8192xf32, #tpu.memory_space<hbm>> -> memref<8192x8192xf32, #tpu.memory_space<hbm>>
    tpu.enqueue_indirect_dma source(%dma_start3A_68 : memref<8192x8192xf32, #tpu.memory_space<hbm>>) target(%arg8 : memref<4x8192xf32, #tpu.memory_space<vmem>>) offsets(%dma_start3A_65 : memref<4xi32, #tpu.memory_space<vmem>>) semaphore(%arg11 : memref<!tpu.dma_semaphore, #tpu.memory_space<semaphore_mem>>)
    %dma_wait3A_69 = arith.constant 1 : i32
    %dma_wait3A_70 = arith.constant 0 : i32
    %dma_wait3A_71 = tpu.memref_slice %arg5[%dma_wait3A_69, %dma_wait3A_70] : memref<128x4xi32, #tpu.memory_space<vmem>> -> memref<1x4xi32, #tpu.memory_space<vmem>>
    %dma_wait3A_72 = tpu.memref_squeeze %dma_wait3A_71 : memref<1x4xi32, #tpu.memory_space<vmem>> -> memref<4xi32, #tpu.memory_space<vmem>>
    %dma_wait3A_73 = arith.constant 0 : i32
    %dma_wait3A_74 = arith.constant 0 : i32
    %dma_wait3A_75 = tpu.memref_slice %arg3[%dma_wait3A_73, %dma_wait3A_74] : memref<8192x8192xf32, #tpu.memory_space<hbm>> -> memref<8192x8192xf32, #tpu.memory_space<hbm>>
    tpu.wait_indirect_dma semaphore(%arg10 : memref<!tpu.dma_semaphore, #tpu.memory_space<semaphore_mem>>) src(%dma_wait3A_75 : memref<8192x8192xf32, #tpu.memory_space<hbm>>) dst(%arg7 : memref<4x8192xf32, #tpu.memory_space<vmem>>)
    %add3A_76 = arith.constant 4 : i32
    %add3A_77 = arith.addi %mul3A_34, %add3A_76 : i32
    %dma_start3A_78 = arith.constant 0 : i32
    %dma_start3A_79 = tpu.memref_slice %arg4[%select_n3A, %add3A_77, %dma_start3A_78] : memref<8x2048x8192xf32, #tpu.memory_space<hbm>> -> memref<1x4x8192xf32, #tpu.memory_space<hbm>>
    %dma_start3A_80 = tpu.memref_squeeze %dma_start3A_79 : memref<1x4x8192xf32, #tpu.memory_space<hbm>> -> memref<4x8192xf32, #tpu.memory_space<hbm>>
    %dma_start3A_81 = arith.constant 0 : i32
    %dma_start3A_82 = tpu.memref_slice %arg4[%select_n3A, %add3A_77, %dma_start3A_81] : memref<8x2048x8192xf32, #tpu.memory_space<hbm>> -> memref<1x4x8192xf32, #tpu.memory_space<hbm>>
    %dma_start3A_83 = tpu.memref_squeeze %dma_start3A_82 : memref<1x4x8192xf32, #tpu.memory_space<hbm>> -> memref<4x8192xf32, #tpu.memory_space<hbm>>
    tpu.enqueue_dma source(%arg7 : memref<4x8192xf32, #tpu.memory_space<vmem>>) target(%dma_start3A_83 : memref<4x8192xf32, #tpu.memory_space<hbm>>) target_semaphore(%arg13 : memref<!tpu.dma_semaphore, #tpu.memory_space<semaphore_mem>>)
    %add3A_84 = arith.constant 0 : i32
    %add3A_85 = arith.addi %mul3A_34, %add3A_84 : i32
    %dma_wait3A_86 = arith.constant 0 : i32
    %dma_wait3A_87 = tpu.memref_slice %arg4[%select_n3A, %add3A_85, %dma_wait3A_86] : memref<8x2048x8192xf32, #tpu.memory_space<hbm>> -> memref<1x4x8192xf32, #tpu.memory_space<hbm>>
    %dma_wait3A_88 = tpu.memref_squeeze %dma_wait3A_87 : memref<1x4x8192xf32, #tpu.memory_space<hbm>> -> memref<4x8192xf32, #tpu.memory_space<hbm>>
    %dma_wait3A_89 = arith.constant 0 : i32
    %dma_wait3A_90 = tpu.memref_slice %arg4[%select_n3A, %add3A_85, %dma_wait3A_89] : memref<8x2048x8192xf32, #tpu.memory_space<hbm>> -> memref<1x4x8192xf32, #tpu.memory_space<hbm>>
    %dma_wait3A_91 = tpu.memref_squeeze %dma_wait3A_90 : memref<1x4x8192xf32, #tpu.memory_space<hbm>> -> memref<4x8192xf32, #tpu.memory_space<hbm>>
    tpu.wait_dma2 semaphore(%arg12 : memref<!tpu.dma_semaphore, #tpu.memory_space<semaphore_mem>>) src(%arg6 : memref<4x8192xf32, #tpu.memory_space<vmem>>) dst(%dma_wait3A_91 : memref<4x8192xf32, #tpu.memory_space<hbm>>)
    %dma_start3A_92 = arith.constant 3 : i32
    %dma_start3A_93 = arith.constant 0 : i32
    %dma_start3A_94 = tpu.memref_slice %arg5[%dma_start3A_92, %dma_start3A_93] : memref<128x4xi32, #tpu.memory_space<vmem>> -> memref<1x4xi32, #tpu.memory_space<vmem>>
    %dma_start3A_95 = tpu.memref_squeeze %dma_start3A_94 : memref<1x4xi32, #tpu.memory_space<vmem>> -> memref<4xi32, #tpu.memory_space<vmem>>
    %dma_start3A_96 = arith.constant 0 : i32
    %dma_start3A_97 = arith.constant 0 : i32
    %dma_start3A_98 = tpu.memref_slice %arg3[%dma_start3A_96, %dma_start3A_97] : memref<8192x8192xf32, #tpu.memory_space<hbm>> -> memref<8192x8192xf32, #tpu.memory_space<hbm>>
    tpu.enqueue_indirect_dma source(%dma_start3A_98 : memref<8192x8192xf32, #tpu.memory_space<hbm>>) target(%arg6 : memref<4x8192xf32, #tpu.memory_space<vmem>>) offsets(%dma_start3A_95 : memref<4xi32, #tpu.memory_space<vmem>>) semaphore(%arg9 : memref<!tpu.dma_semaphore, #tpu.memory_space<semaphore_mem>>)
    %dma_wait3A_99 = arith.constant 2 : i32
    %dma_wait3A_100 = arith.constant 0 : i32
    %dma_wait3A_101 = tpu.memref_slice %arg5[%dma_wait3A_99, %dma_wait3A_100] : memref<128x4xi32, #tpu.memory_space<vmem>> -> memref<1x4xi32, #tpu.memory_space<vmem>>
    %dma_wait3A_102 = tpu.memref_squeeze %dma_wait3A_101 : memref<1x4xi32, #tpu.memory_space<vmem>> -> memref<4xi32, #tpu.memory_space<vmem>>
    %dma_wait3A_103 = arith.constant 0 : i32
    %dma_wait3A_104 = arith.constant 0 : i32
    %dma_wait3A_105 = tpu.memref_slice %arg3[%dma_wait3A_103, %dma_wait3A_104] : memref<8192x8192xf32, #tpu.memory_space<hbm>> -> memref<8192x8192xf32, #tpu.memory_space<hbm>>
    tpu.wait_indirect_dma semaphore(%arg11 : memref<!tpu.dma_semaphore, #tpu.memory_space<semaphore_mem>>) src(%dma_wait3A_105 : memref<8192x8192xf32, #tpu.memory_space<hbm>>) dst(%arg8 : memref<4x8192xf32, #tpu.memory_space<vmem>>)
    %add3A_106 = arith.constant 8 : i32
    %add3A_107 = arith.addi %mul3A_34, %add3A_106 : i32
    %dma_start3A_108 = arith.constant 0 : i32
    %dma_start3A_109 = tpu.memref_slice %arg4[%select_n3A, %add3A_107, %dma_start3A_108] : memref<8x2048x8192xf32, #tpu.memory_space<hbm>> -> memref<1x4x8192xf32, #tpu.memory_space<hbm>>
    %dma_start3A_110 = tpu.memref_squeeze %dma_start3A_109 : memref<1x4x8192xf32, #tpu.memory_space<hbm>> -> memref<4x8192xf32, #tpu.memory_space<hbm>>
    %dma_start3A_111 = arith.constant 0 : i32
    %dma_start3A_112 = tpu.memref_slice %arg4[%select_n3A, %add3A_107, %dma_start3A_111] : memref<8x2048x8192xf32, #tpu.memory_space<hbm>> -> memref<1x4x8192xf32, #tpu.memory_space<hbm>>
    %dma_start3A_113 = tpu.memref_squeeze %dma_start3A_112 : memref<1x4x8192xf32, #tpu.memory_space<hbm>> -> memref<4x8192xf32, #tpu.memory_space<hbm>>
    tpu.enqueue_dma source(%arg8 : memref<4x8192xf32, #tpu.memory_space<vmem>>) target(%dma_start3A_113 : memref<4x8192xf32, #tpu.memory_space<hbm>>) target_semaphore(%arg14 : memref<!tpu.dma_semaphore, #tpu.memory_space<semaphore_mem>>)
    %add3A_114 = arith.constant 4 : i32
    %add3A_115 = arith.addi %mul3A_34, %add3A_114 : i32
    %dma_wait3A_116 = arith.constant 0 : i32
    %dma_wait3A_117 = tpu.memref_slice %arg4[%select_n3A, %add3A_115, %dma_wait3A_116] : memref<8x2048x8192xf32, #tpu.memory_space<hbm>> -> memref<1x4x8192xf32, #tpu.memory_space<hbm>>
    %dma_wait3A_118 = tpu.memref_squeeze %dma_wait3A_117 : memref<1x4x8192xf32, #tpu.memory_space<hbm>> -> memref<4x8192xf32, #tpu.memory_space<hbm>>
    %dma_wait3A_119 = arith.constant 0 : i32
    %dma_wait3A_120 = tpu.memref_slice %arg4[%select_n3A, %add3A_115, %dma_wait3A_119] : memref<8x2048x8192xf32, #tpu.memory_space<hbm>> -> memref<1x4x8192xf32, #tpu.memory_space<hbm>>
    %dma_wait3A_121 = tpu.memref_squeeze %dma_wait3A_120 : memref<1x4x8192xf32, #tpu.memory_space<hbm>> -> memref<4x8192xf32, #tpu.memory_space<hbm>>
    tpu.wait_dma2 semaphore(%arg13 : memref<!tpu.dma_semaphore, #tpu.memory_space<semaphore_mem>>) src(%arg7 : memref<4x8192xf32, #tpu.memory_space<vmem>>) dst(%dma_wait3A_121 : memref<4x8192xf32, #tpu.memory_space<hbm>>)
    %dma_start3A_122 = arith.constant 4 : i32
    %dma_start3A_123 = arith.constant 0 : i32
    %dma_start3A_124 = tpu.memref_slice %arg5[%dma_start3A_122, %dma_start3A_123] : memref<128x4xi32, #tpu.memory_space<vmem>> -> memref<1x4xi32, #tpu.memory_space<vmem>>
    %dma_start3A_125 = tpu.memref_squeeze %dma_start3A_124 : memref<1x4xi32, #tpu.memory_space<vmem>> -> memref<4xi32, #tpu.memory_space<vmem>>
    %dma_start3A_126 = arith.constant 0 : i32
    %dma_start3A_127 = arith.constant 0 : i32
    %dma_start3A_128 = tpu.memref_slice %arg3[%dma_start3A_126, %dma_start3A_127] : memref<8192x8192xf32, #tpu.memory_space<hbm>> -> memref<8192x8192xf32, #tpu.memory_space<hbm>>
    tpu.enqueue_indirect_dma source(%dma_start3A_128 : memref<8192x8192xf32, #tpu.memory_space<hbm>>) target(%arg7 : memref<4x8192xf32, #tpu.memory_space<vmem>>) offsets(%dma_start3A_125 : memref<4xi32, #tpu.memory_space<vmem>>) semaphore(%arg10 : memref<!tpu.dma_semaphore, #tpu.memory_space<semaphore_mem>>)
    %scan3A = arith.constant 0 : i32
    %scan3A_129 = arith.constant 1 : i32
    %scan3A_130 = arith.constant 41 : i32
    %scan3A_131 = arith.addi %scan3A_129, %scan3A_130 : i32
    %scan3A_132 = arith.constant 1 : i32
    scf.for %scan3A_188 = %scan3A_129 to %scan3A_131 step %scan3A_132  : i32 {
      %mul3A_189 = arith.constant 3 : i32
      %mul3A_190 = arith.muli %scan3A_188, %mul3A_189 : i32
      %add3A_191 = arith.constant 0 : i32
      %add3A_192 = arith.addi %mul3A_190, %add3A_191 : i32
      %dma_wait3A_193 = arith.constant 0 : i32
      %dma_wait3A_194 = tpu.memref_slice %arg5[%add3A_192, %dma_wait3A_193] : memref<128x4xi32, #tpu.memory_space<vmem>> -> memref<1x4xi32, #tpu.memory_space<vmem>>
      %dma_wait3A_195 = tpu.memref_squeeze %dma_wait3A_194 : memref<1x4xi32, #tpu.memory_space<vmem>> -> memref<4xi32, #tpu.memory_space<vmem>>
      %dma_wait3A_196 = arith.constant 0 : i32
      %dma_wait3A_197 = arith.constant 0 : i32
      %dma_wait3A_198 = tpu.memref_slice %arg3[%dma_wait3A_196, %dma_wait3A_197] : memref<8192x8192xf32, #tpu.memory_space<hbm>> -> memref<8192x8192xf32, #tpu.memory_space<hbm>>
      tpu.wait_indirect_dma semaphore(%arg9 : memref<!tpu.dma_semaphore, #tpu.memory_space<semaphore_mem>>) src(%dma_wait3A_198 : memref<8192x8192xf32, #tpu.memory_space<hbm>>) dst(%arg6 : memref<4x8192xf32, #tpu.memory_space<vmem>>)
      %mul3A_199 = arith.constant 4 : i32
      %mul3A_200 = arith.muli %add3A_192, %mul3A_199 : i32
      %add3A_201 = arith.addi %mul3A_34, %mul3A_200 : i32
      %dma_start3A_202 = arith.constant 0 : i32
      %dma_start3A_203 = tpu.memref_slice %arg4[%select_n3A, %add3A_201, %dma_start3A_202] : memref<8x2048x8192xf32, #tpu.memory_space<hbm>> -> memref<1x4x8192xf32, #tpu.memory_space<hbm>>
      %dma_start3A_204 = tpu.memref_squeeze %dma_start3A_203 : memref<1x4x8192xf32, #tpu.memory_space<hbm>> -> memref<4x8192xf32, #tpu.memory_space<hbm>>
      %dma_start3A_205 = arith.constant 0 : i32
      %dma_start3A_206 = tpu.memref_slice %arg4[%select_n3A, %add3A_201, %dma_start3A_205] : memref<8x2048x8192xf32, #tpu.memory_space<hbm>> -> memref<1x4x8192xf32, #tpu.memory_space<hbm>>
      %dma_start3A_207 = tpu.memref_squeeze %dma_start3A_206 : memref<1x4x8192xf32, #tpu.memory_space<hbm>> -> memref<4x8192xf32, #tpu.memory_space<hbm>>
      tpu.enqueue_dma source(%arg6 : memref<4x8192xf32, #tpu.memory_space<vmem>>) target(%dma_start3A_207 : memref<4x8192xf32, #tpu.memory_space<hbm>>) target_semaphore(%arg12 : memref<!tpu.dma_semaphore, #tpu.memory_space<semaphore_mem>>)
      %sub3A_208 = arith.constant 1 : i32
      %sub3A_209 = arith.subi %add3A_192, %sub3A_208 : i32
      %mul3A_210 = arith.constant 4 : i32
      %mul3A_211 = arith.muli %sub3A_209, %mul3A_210 : i32
      %add3A_212 = arith.addi %mul3A_34, %mul3A_211 : i32
      %dma_wait3A_213 = arith.constant 0 : i32
      %dma_wait3A_214 = tpu.memref_slice %arg4[%select_n3A, %add3A_212, %dma_wait3A_213] : memref<8x2048x8192xf32, #tpu.memory_space<hbm>> -> memref<1x4x8192xf32, #tpu.memory_space<hbm>>
      %dma_wait3A_215 = tpu.memref_squeeze %dma_wait3A_214 : memref<1x4x8192xf32, #tpu.memory_space<hbm>> -> memref<4x8192xf32, #tpu.memory_space<hbm>>
      %dma_wait3A_216 = arith.constant 0 : i32
      %dma_wait3A_217 = tpu.memref_slice %arg4[%select_n3A, %add3A_212, %dma_wait3A_216] : memref<8x2048x8192xf32, #tpu.memory_space<hbm>> -> memref<1x4x8192xf32, #tpu.memory_space<hbm>>
      %dma_wait3A_218 = tpu.memref_squeeze %dma_wait3A_217 : memref<1x4x8192xf32, #tpu.memory_space<hbm>> -> memref<4x8192xf32, #tpu.memory_space<hbm>>
      tpu.wait_dma2 semaphore(%arg14 : memref<!tpu.dma_semaphore, #tpu.memory_space<semaphore_mem>>) src(%arg8 : memref<4x8192xf32, #tpu.memory_space<vmem>>) dst(%dma_wait3A_218 : memref<4x8192xf32, #tpu.memory_space<hbm>>)
      %add3A_219 = arith.constant 2 : i32
      %add3A_220 = arith.addi %add3A_192, %add3A_219 : i32
      %dma_start3A_221 = arith.constant 0 : i32
      %dma_start3A_222 = tpu.memref_slice %arg5[%add3A_220, %dma_start3A_221] : memref<128x4xi32, #tpu.memory_space<vmem>> -> memref<1x4xi32, #tpu.memory_space<vmem>>
      %dma_start3A_223 = tpu.memref_squeeze %dma_start3A_222 : memref<1x4xi32, #tpu.memory_space<vmem>> -> memref<4xi32, #tpu.memory_space<vmem>>
      %dma_start3A_224 = arith.constant 0 : i32
      %dma_start3A_225 = arith.constant 0 : i32
      %dma_start3A_226 = tpu.memref_slice %arg3[%dma_start3A_224, %dma_start3A_225] : memref<8192x8192xf32, #tpu.memory_space<hbm>> -> memref<8192x8192xf32, #tpu.memory_space<hbm>>
      tpu.enqueue_indirect_dma source(%dma_start3A_226 : memref<8192x8192xf32, #tpu.memory_space<hbm>>) target(%arg8 : memref<4x8192xf32, #tpu.memory_space<vmem>>) offsets(%dma_start3A_223 : memref<4xi32, #tpu.memory_space<vmem>>) semaphore(%arg11 : memref<!tpu.dma_semaphore, #tpu.memory_space<semaphore_mem>>)
      %add3A_227 = arith.constant 1 : i32
      %add3A_228 = arith.addi %mul3A_190, %add3A_227 : i32
      %dma_wait3A_229 = arith.constant 0 : i32
      %dma_wait3A_230 = tpu.memref_slice %arg5[%add3A_228, %dma_wait3A_229] : memref<128x4xi32, #tpu.memory_space<vmem>> -> memref<1x4xi32, #tpu.memory_space<vmem>>
      %dma_wait3A_231 = tpu.memref_squeeze %dma_wait3A_230 : memref<1x4xi32, #tpu.memory_space<vmem>> -> memref<4xi32, #tpu.memory_space<vmem>>
      %dma_wait3A_232 = arith.constant 0 : i32
      %dma_wait3A_233 = arith.constant 0 : i32
      %dma_wait3A_234 = tpu.memref_slice %arg3[%dma_wait3A_232, %dma_wait3A_233] : memref<8192x8192xf32, #tpu.memory_space<hbm>> -> memref<8192x8192xf32, #tpu.memory_space<hbm>>
      tpu.wait_indirect_dma semaphore(%arg10 : memref<!tpu.dma_semaphore, #tpu.memory_space<semaphore_mem>>) src(%dma_wait3A_234 : memref<8192x8192xf32, #tpu.memory_space<hbm>>) dst(%arg7 : memref<4x8192xf32, #tpu.memory_space<vmem>>)
      %mul3A_235 = arith.constant 4 : i32
      %mul3A_236 = arith.muli %add3A_228, %mul3A_235 : i32
      %add3A_237 = arith.addi %mul3A_34, %mul3A_236 : i32
      %dma_start3A_238 = arith.constant 0 : i32
      %dma_start3A_239 = tpu.memref_slice %arg4[%select_n3A, %add3A_237, %dma_start3A_238] : memref<8x2048x8192xf32, #tpu.memory_space<hbm>> -> memref<1x4x8192xf32, #tpu.memory_space<hbm>>
      %dma_start3A_240 = tpu.memref_squeeze %dma_start3A_239 : memref<1x4x8192xf32, #tpu.memory_space<hbm>> -> memref<4x8192xf32, #tpu.memory_space<hbm>>
      %dma_start3A_241 = arith.constant 0 : i32
      %dma_start3A_242 = tpu.memref_slice %arg4[%select_n3A, %add3A_237, %dma_start3A_241] : memref<8x2048x8192xf32, #tpu.memory_space<hbm>> -> memref<1x4x8192xf32, #tpu.memory_space<hbm>>
      %dma_start3A_243 = tpu.memref_squeeze %dma_start3A_242 : memref<1x4x8192xf32, #tpu.memory_space<hbm>> -> memref<4x8192xf32, #tpu.memory_space<hbm>>
      tpu.enqueue_dma source(%arg7 : memref<4x8192xf32, #tpu.memory_space<vmem>>) target(%dma_start3A_243 : memref<4x8192xf32, #tpu.memory_space<hbm>>) target_semaphore(%arg13 : memref<!tpu.dma_semaphore, #tpu.memory_space<semaphore_mem>>)
      %sub3A_244 = arith.constant 1 : i32
      %sub3A_245 = arith.subi %add3A_228, %sub3A_244 : i32
      %mul3A_246 = arith.constant 4 : i32
      %mul3A_247 = arith.muli %sub3A_245, %mul3A_246 : i32
      %add3A_248 = arith.addi %mul3A_34, %mul3A_247 : i32
      %dma_wait3A_249 = arith.constant 0 : i32
      %dma_wait3A_250 = tpu.memref_slice %arg4[%select_n3A, %add3A_248, %dma_wait3A_249] : memref<8x2048x8192xf32, #tpu.memory_space<hbm>> -> memref<1x4x8192xf32, #tpu.memory_space<hbm>>
      %dma_wait3A_251 = tpu.memref_squeeze %dma_wait3A_250 : memref<1x4x8192xf32, #tpu.memory_space<hbm>> -> memref<4x8192xf32, #tpu.memory_space<hbm>>
      %dma_wait3A_252 = arith.constant 0 : i32
      %dma_wait3A_253 = tpu.memref_slice %arg4[%select_n3A, %add3A_248, %dma_wait3A_252] : memref<8x2048x8192xf32, #tpu.memory_space<hbm>> -> memref<1x4x8192xf32, #tpu.memory_space<hbm>>
      %dma_wait3A_254 = tpu.memref_squeeze %dma_wait3A_253 : memref<1x4x8192xf32, #tpu.memory_space<hbm>> -> memref<4x8192xf32, #tpu.memory_space<hbm>>
      tpu.wait_dma2 semaphore(%arg12 : memref<!tpu.dma_semaphore, #tpu.memory_space<semaphore_mem>>) src(%arg6 : memref<4x8192xf32, #tpu.memory_space<vmem>>) dst(%dma_wait3A_254 : memref<4x8192xf32, #tpu.memory_space<hbm>>)
      %add3A_255 = arith.constant 2 : i32
      %add3A_256 = arith.addi %add3A_228, %add3A_255 : i32
      %dma_start3A_257 = arith.constant 0 : i32
      %dma_start3A_258 = tpu.memref_slice %arg5[%add3A_256, %dma_start3A_257] : memref<128x4xi32, #tpu.memory_space<vmem>> -> memref<1x4xi32, #tpu.memory_space<vmem>>
      %dma_start3A_259 = tpu.memref_squeeze %dma_start3A_258 : memref<1x4xi32, #tpu.memory_space<vmem>> -> memref<4xi32, #tpu.memory_space<vmem>>
      %dma_start3A_260 = arith.constant 0 : i32
      %dma_start3A_261 = arith.constant 0 : i32
      %dma_start3A_262 = tpu.memref_slice %arg3[%dma_start3A_260, %dma_start3A_261] : memref<8192x8192xf32, #tpu.memory_space<hbm>> -> memref<8192x8192xf32, #tpu.memory_space<hbm>>
      tpu.enqueue_indirect_dma source(%dma_start3A_262 : memref<8192x8192xf32, #tpu.memory_space<hbm>>) target(%arg6 : memref<4x8192xf32, #tpu.memory_space<vmem>>) offsets(%dma_start3A_259 : memref<4xi32, #tpu.memory_space<vmem>>) semaphore(%arg9 : memref<!tpu.dma_semaphore, #tpu.memory_space<semaphore_mem>>)
      %add3A_263 = arith.constant 2 : i32
      %add3A_264 = arith.addi %mul3A_190, %add3A_263 : i32
      %dma_wait3A_265 = arith.constant 0 : i32
      %dma_wait3A_266 = tpu.memref_slice %arg5[%add3A_264, %dma_wait3A_265] : memref<128x4xi32, #tpu.memory_space<vmem>> -> memref<1x4xi32, #tpu.memory_space<vmem>>
      %dma_wait3A_267 = tpu.memref_squeeze %dma_wait3A_266 : memref<1x4xi32, #tpu.memory_space<vmem>> -> memref<4xi32, #tpu.memory_space<vmem>>
      %dma_wait3A_268 = arith.constant 0 : i32
      %dma_wait3A_269 = arith.constant 0 : i32
      %dma_wait3A_270 = tpu.memref_slice %arg3[%dma_wait3A_268, %dma_wait3A_269] : memref<8192x8192xf32, #tpu.memory_space<hbm>> -> memref<8192x8192xf32, #tpu.memory_space<hbm>>
      tpu.wait_indirect_dma semaphore(%arg11 : memref<!tpu.dma_semaphore, #tpu.memory_space<semaphore_mem>>) src(%dma_wait3A_270 : memref<8192x8192xf32, #tpu.memory_space<hbm>>) dst(%arg8 : memref<4x8192xf32, #tpu.memory_space<vmem>>)
      %mul3A_271 = arith.constant 4 : i32
      %mul3A_272 = arith.muli %add3A_264, %mul3A_271 : i32
      %add3A_273 = arith.addi %mul3A_34, %mul3A_272 : i32
      %dma_start3A_274 = arith.constant 0 : i32
      %dma_start3A_275 = tpu.memref_slice %arg4[%select_n3A, %add3A_273, %dma_start3A_274] : memref<8x2048x8192xf32, #tpu.memory_space<hbm>> -> memref<1x4x8192xf32, #tpu.memory_space<hbm>>
      %dma_start3A_276 = tpu.memref_squeeze %dma_start3A_275 : memref<1x4x8192xf32, #tpu.memory_space<hbm>> -> memref<4x8192xf32, #tpu.memory_space<hbm>>
      %dma_start3A_277 = arith.constant 0 : i32
      %dma_start3A_278 = tpu.memref_slice %arg4[%select_n3A, %add3A_273, %dma_start3A_277] : memref<8x2048x8192xf32, #tpu.memory_space<hbm>> -> memref<1x4x8192xf32, #tpu.memory_space<hbm>>
      %dma_start3A_279 = tpu.memref_squeeze %dma_start3A_278 : memref<1x4x8192xf32, #tpu.memory_space<hbm>> -> memref<4x8192xf32, #tpu.memory_space<hbm>>
      tpu.enqueue_dma source(%arg8 : memref<4x8192xf32, #tpu.memory_space<vmem>>) target(%dma_start3A_279 : memref<4x8192xf32, #tpu.memory_space<hbm>>) target_semaphore(%arg14 : memref<!tpu.dma_semaphore, #tpu.memory_space<semaphore_mem>>)
      %sub3A_280 = arith.constant 1 : i32
      %sub3A_281 = arith.subi %add3A_264, %sub3A_280 : i32
      %mul3A_282 = arith.constant 4 : i32
      %mul3A_283 = arith.muli %sub3A_281, %mul3A_282 : i32
      %add3A_284 = arith.addi %mul3A_34, %mul3A_283 : i32
      %dma_wait3A_285 = arith.constant 0 : i32
      %dma_wait3A_286 = tpu.memref_slice %arg4[%select_n3A, %add3A_284, %dma_wait3A_285] : memref<8x2048x8192xf32, #tpu.memory_space<hbm>> -> memref<1x4x8192xf32, #tpu.memory_space<hbm>>
      %dma_wait3A_287 = tpu.memref_squeeze %dma_wait3A_286 : memref<1x4x8192xf32, #tpu.memory_space<hbm>> -> memref<4x8192xf32, #tpu.memory_space<hbm>>
      %dma_wait3A_288 = arith.constant 0 : i32
      %dma_wait3A_289 = tpu.memref_slice %arg4[%select_n3A, %add3A_284, %dma_wait3A_288] : memref<8x2048x8192xf32, #tpu.memory_space<hbm>> -> memref<1x4x8192xf32, #tpu.memory_space<hbm>>
      %dma_wait3A_290 = tpu.memref_squeeze %dma_wait3A_289 : memref<1x4x8192xf32, #tpu.memory_space<hbm>> -> memref<4x8192xf32, #tpu.memory_space<hbm>>
      tpu.wait_dma2 semaphore(%arg13 : memref<!tpu.dma_semaphore, #tpu.memory_space<semaphore_mem>>) src(%arg7 : memref<4x8192xf32, #tpu.memory_space<vmem>>) dst(%dma_wait3A_290 : memref<4x8192xf32, #tpu.memory_space<hbm>>)
      %add3A_291 = arith.constant 2 : i32
      %add3A_292 = arith.addi %add3A_264, %add3A_291 : i32
      %dma_start3A_293 = arith.constant 0 : i32
      %dma_start3A_294 = tpu.memref_slice %arg5[%add3A_292, %dma_start3A_293] : memref<128x4xi32, #tpu.memory_space<vmem>> -> memref<1x4xi32, #tpu.memory_space<vmem>>
      %dma_start3A_295 = tpu.memref_squeeze %dma_start3A_294 : memref<1x4xi32, #tpu.memory_space<vmem>> -> memref<4xi32, #tpu.memory_space<vmem>>
      %dma_start3A_296 = arith.constant 0 : i32
      %dma_start3A_297 = arith.constant 0 : i32
      %dma_start3A_298 = tpu.memref_slice %arg3[%dma_start3A_296, %dma_start3A_297] : memref<8192x8192xf32, #tpu.memory_space<hbm>> -> memref<8192x8192xf32, #tpu.memory_space<hbm>>
      tpu.enqueue_indirect_dma source(%dma_start3A_298 : memref<8192x8192xf32, #tpu.memory_space<hbm>>) target(%arg7 : memref<4x8192xf32, #tpu.memory_space<vmem>>) offsets(%dma_start3A_295 : memref<4xi32, #tpu.memory_space<vmem>>) semaphore(%arg10 : memref<!tpu.dma_semaphore, #tpu.memory_space<semaphore_mem>>)
    }
    %scan3A_133 = arith.constant 41 : i32
    %dma_wait3A_134 = arith.constant 126 : i32
    %dma_wait3A_135 = arith.constant 0 : i32
    %dma_wait3A_136 = tpu.memref_slice %arg5[%dma_wait3A_134, %dma_wait3A_135] : memref<128x4xi32, #tpu.memory_space<vmem>> -> memref<1x4xi32, #tpu.memory_space<vmem>>
    %dma_wait3A_137 = tpu.memref_squeeze %dma_wait3A_136 : memref<1x4xi32, #tpu.memory_space<vmem>> -> memref<4xi32, #tpu.memory_space<vmem>>
    %dma_wait3A_138 = arith.constant 0 : i32
    %dma_wait3A_139 = arith.constant 0 : i32
    %dma_wait3A_140 = tpu.memref_slice %arg3[%dma_wait3A_138, %dma_wait3A_139] : memref<8192x8192xf32, #tpu.memory_space<hbm>> -> memref<8192x8192xf32, #tpu.memory_space<hbm>>
    tpu.wait_indirect_dma semaphore(%arg9 : memref<!tpu.dma_semaphore, #tpu.memory_space<semaphore_mem>>) src(%dma_wait3A_140 : memref<8192x8192xf32, #tpu.memory_space<hbm>>) dst(%arg6 : memref<4x8192xf32, #tpu.memory_space<vmem>>)
    %add3A_141 = arith.constant 504 : i32
    %add3A_142 = arith.addi %mul3A_34, %add3A_141 : i32
    %dma_start3A_143 = arith.constant 0 : i32
    %dma_start3A_144 = tpu.memref_slice %arg4[%select_n3A, %add3A_142, %dma_start3A_143] : memref<8x2048x8192xf32, #tpu.memory_space<hbm>> -> memref<1x4x8192xf32, #tpu.memory_space<hbm>>
    %dma_start3A_145 = tpu.memref_squeeze %dma_start3A_144 : memref<1x4x8192xf32, #tpu.memory_space<hbm>> -> memref<4x8192xf32, #tpu.memory_space<hbm>>
    %dma_start3A_146 = arith.constant 0 : i32
    %dma_start3A_147 = tpu.memref_slice %arg4[%select_n3A, %add3A_142, %dma_start3A_146] : memref<8x2048x8192xf32, #tpu.memory_space<hbm>> -> memref<1x4x8192xf32, #tpu.memory_space<hbm>>
    %dma_start3A_148 = tpu.memref_squeeze %dma_start3A_147 : memref<1x4x8192xf32, #tpu.memory_space<hbm>> -> memref<4x8192xf32, #tpu.memory_space<hbm>>
    tpu.enqueue_dma source(%arg6 : memref<4x8192xf32, #tpu.memory_space<vmem>>) target(%dma_start3A_148 : memref<4x8192xf32, #tpu.memory_space<hbm>>) target_semaphore(%arg12 : memref<!tpu.dma_semaphore, #tpu.memory_space<semaphore_mem>>)
    %dma_wait3A_149 = arith.constant 127 : i32
    %dma_wait3A_150 = arith.constant 0 : i32
    %dma_wait3A_151 = tpu.memref_slice %arg5[%dma_wait3A_149, %dma_wait3A_150] : memref<128x4xi32, #tpu.memory_space<vmem>> -> memref<1x4xi32, #tpu.memory_space<vmem>>
    %dma_wait3A_152 = tpu.memref_squeeze %dma_wait3A_151 : memref<1x4xi32, #tpu.memory_space<vmem>> -> memref<4xi32, #tpu.memory_space<vmem>>
    %dma_wait3A_153 = arith.constant 0 : i32
    %dma_wait3A_154 = arith.constant 0 : i32
    %dma_wait3A_155 = tpu.memref_slice %arg3[%dma_wait3A_153, %dma_wait3A_154] : memref<8192x8192xf32, #tpu.memory_space<hbm>> -> memref<8192x8192xf32, #tpu.memory_space<hbm>>
    tpu.wait_indirect_dma semaphore(%arg10 : memref<!tpu.dma_semaphore, #tpu.memory_space<semaphore_mem>>) src(%dma_wait3A_155 : memref<8192x8192xf32, #tpu.memory_space<hbm>>) dst(%arg7 : memref<4x8192xf32, #tpu.memory_space<vmem>>)
    %add3A_156 = arith.constant 508 : i32
    %add3A_157 = arith.addi %mul3A_34, %add3A_156 : i32
    %dma_start3A_158 = arith.constant 0 : i32
    %dma_start3A_159 = tpu.memref_slice %arg4[%select_n3A, %add3A_157, %dma_start3A_158] : memref<8x2048x8192xf32, #tpu.memory_space<hbm>> -> memref<1x4x8192xf32, #tpu.memory_space<hbm>>
    %dma_start3A_160 = tpu.memref_squeeze %dma_start3A_159 : memref<1x4x8192xf32, #tpu.memory_space<hbm>> -> memref<4x8192xf32, #tpu.memory_space<hbm>>
    %dma_start3A_161 = arith.constant 0 : i32
    %dma_start3A_162 = tpu.memref_slice %arg4[%select_n3A, %add3A_157, %dma_start3A_161] : memref<8x2048x8192xf32, #tpu.memory_space<hbm>> -> memref<1x4x8192xf32, #tpu.memory_space<hbm>>
    %dma_start3A_163 = tpu.memref_squeeze %dma_start3A_162 : memref<1x4x8192xf32, #tpu.memory_space<hbm>> -> memref<4x8192xf32, #tpu.memory_space<hbm>>
    tpu.enqueue_dma source(%arg7 : memref<4x8192xf32, #tpu.memory_space<vmem>>) target(%dma_start3A_163 : memref<4x8192xf32, #tpu.memory_space<hbm>>) target_semaphore(%arg13 : memref<!tpu.dma_semaphore, #tpu.memory_space<semaphore_mem>>)
    %add3A_164 = arith.constant 0 : i32
    %add3A_165 = arith.addi %mul3A_34, %add3A_164 : i32
    %dma_wait3A_166 = arith.constant 0 : i32
    %dma_wait3A_167 = tpu.memref_slice %arg4[%select_n3A, %add3A_165, %dma_wait3A_166] : memref<8x2048x8192xf32, #tpu.memory_space<hbm>> -> memref<1x4x8192xf32, #tpu.memory_space<hbm>>
    %dma_wait3A_168 = tpu.memref_squeeze %dma_wait3A_167 : memref<1x4x8192xf32, #tpu.memory_space<hbm>> -> memref<4x8192xf32, #tpu.memory_space<hbm>>
    %dma_wait3A_169 = arith.constant 0 : i32
    %dma_wait3A_170 = tpu.memref_slice %arg4[%select_n3A, %add3A_165, %dma_wait3A_169] : memref<8x2048x8192xf32, #tpu.memory_space<hbm>> -> memref<1x4x8192xf32, #tpu.memory_space<hbm>>
    %dma_wait3A_171 = tpu.memref_squeeze %dma_wait3A_170 : memref<1x4x8192xf32, #tpu.memory_space<hbm>> -> memref<4x8192xf32, #tpu.memory_space<hbm>>
    tpu.wait_dma2 semaphore(%arg12 : memref<!tpu.dma_semaphore, #tpu.memory_space<semaphore_mem>>) src(%arg6 : memref<4x8192xf32, #tpu.memory_space<vmem>>) dst(%dma_wait3A_171 : memref<4x8192xf32, #tpu.memory_space<hbm>>)
    %add3A_172 = arith.constant 0 : i32
    %add3A_173 = arith.addi %mul3A_34, %add3A_172 : i32
    %dma_wait3A_174 = arith.constant 0 : i32
    %dma_wait3A_175 = tpu.memref_slice %arg4[%select_n3A, %add3A_173, %dma_wait3A_174] : memref<8x2048x8192xf32, #tpu.memory_space<hbm>> -> memref<1x4x8192xf32, #tpu.memory_space<hbm>>
    %dma_wait3A_176 = tpu.memref_squeeze %dma_wait3A_175 : memref<1x4x8192xf32, #tpu.memory_space<hbm>> -> memref<4x8192xf32, #tpu.memory_space<hbm>>
    %dma_wait3A_177 = arith.constant 0 : i32
    %dma_wait3A_178 = tpu.memref_slice %arg4[%select_n3A, %add3A_173, %dma_wait3A_177] : memref<8x2048x8192xf32, #tpu.memory_space<hbm>> -> memref<1x4x8192xf32, #tpu.memory_space<hbm>>
    %dma_wait3A_179 = tpu.memref_squeeze %dma_wait3A_178 : memref<1x4x8192xf32, #tpu.memory_space<hbm>> -> memref<4x8192xf32, #tpu.memory_space<hbm>>
    tpu.wait_dma2 semaphore(%arg13 : memref<!tpu.dma_semaphore, #tpu.memory_space<semaphore_mem>>) src(%arg7 : memref<4x8192xf32, #tpu.memory_space<vmem>>) dst(%dma_wait3A_179 : memref<4x8192xf32, #tpu.memory_space<hbm>>)
    %add3A_180 = arith.constant 0 : i32
    %add3A_181 = arith.addi %mul3A_34, %add3A_180 : i32
    %dma_wait3A_182 = arith.constant 0 : i32
    %dma_wait3A_183 = tpu.memref_slice %arg4[%select_n3A, %add3A_181, %dma_wait3A_182] : memref<8x2048x8192xf32, #tpu.memory_space<hbm>> -> memref<1x4x8192xf32, #tpu.memory_space<hbm>>
    %dma_wait3A_184 = tpu.memref_squeeze %dma_wait3A_183 : memref<1x4x8192xf32, #tpu.memory_space<hbm>> -> memref<4x8192xf32, #tpu.memory_space<hbm>>
    %dma_wait3A_185 = arith.constant 0 : i32
    %dma_wait3A_186 = tpu.memref_slice %arg4[%select_n3A, %add3A_181, %dma_wait3A_185] : memref<8x2048x8192xf32, #tpu.memory_space<hbm>> -> memref<1x4x8192xf32, #tpu.memory_space<hbm>>
    %dma_wait3A_187 = tpu.memref_squeeze %dma_wait3A_186 : memref<1x4x8192xf32, #tpu.memory_space<hbm>> -> memref<4x8192xf32, #tpu.memory_space<hbm>>
    tpu.wait_dma2 semaphore(%arg14 : memref<!tpu.dma_semaphore, #tpu.memory_space<semaphore_mem>>) src(%arg8 : memref<4x8192xf32, #tpu.memory_space<vmem>>) dst(%dma_wait3A_187 : memref<4x8192xf32, #tpu.memory_space<hbm>>)
    return
  }
}

</mosaic_0001>

<sc_bundles>
// kernel: kernel.3.cloned.1.call-start
scs
__scs_entry_jumppad:
0x0: {  	(pc) =	sbr.rel $0x88, $3  }
0x1: {  	(tag) =	ssettag $0x0;
	lr =	simm.s32 $0x1  }
0x2: {  	[smem:$0x3F9F] =	sst lr;
	_ =	strace $0xD0000000  }
0x3: {  	_ = 	snop  }
0x4: {  	_ = 	snop  }
0x5: {  	_ = 	snop  }
0x6: {  	_ = 	snop  }
0x7: {  	_ = 	snop  }
__scs_overlays_trampoline_lowered:
0x8: {  	[smem:$0x3FAE] =	sst s0  }
0x9: {  	[smem:$0x3FAF] =	sst s1  }
0xa: {  	[smem:$0x3FB0] =	sst s2  }
0xb: {  	[smem:$0x3FB1] =	sst s3  }
0xc: {  	[smem:$0x3FB2] =	sst s4  }
0xd: {  	[smem:$0x3FB3] =	sst s5  }
0xe: {  	[smem:$0x3FB4] =	sst s6  }
0xf: {  	[smem:$0x3FB5] =	sst s7  }
0x10: {  	[smem:$0x3FB6] =	sst s8  }
0x11: {  	[smem:$0x3FB7] =	sst s9;
	s0 =	simm.s32 @!p0 $0x0  }
0x12: {  	s1 =	sld [smem:$0x3F9D];
	s0 =	simm.s32 @p0 $0x1  }
0x13: {  	[smem:$0x3FB8] =	sst s0;
	s0 =	simm.s32 @!p1 $0x0  }
0x14: {  	s2 =	sld [smem:$0x3F9C];
	s0 =	simm.s32 @p1 $0x1  }
0x15: {  	[smem:$0x3FB9] =	sst s0;
	s0 =	simm.s32 @!p2 $0x0  }
0x16: {  	s3 =	sld [smem:$0x3FDB];
	s0 =	simm.s32 @p2 $0x1  }
0x17: {  	s4 =	simm.s32 $0x1BF5;
	[smem:$0x3FBB] =	sst s0  }
0x18: {  	s0 =	sld [smem:$0x3F9E];
	_ =	swait.ge [sflag:s4], $0x0  }
0x19: {  	s7 =	sld [smem:$0x3F9F]  }
0x1a: {  	s8 =	sadd.s32 $0xFFFFE003, lr  }
0x1b: {  	s9 =	sadd.s32 $0xFFFFFEF7, lr;
	s5 =	simm.s32 $0xFFFFFFFF;
	p2 =	slt.u32 s8, $0xFFFFF086  }
0x1c: {  	p1 =	slt.u32 s9, $0xF7A;
	s5 =	simm.s32 @!p2 $0x0  }
0x1d: {  	s5 =	simm.s32 @p1 $0x1;
	p0 =	seq.s32 s7, s2  }
0x1e: {  	s7 =	smul.u32 @!p0 $0xF7A, s2;
	p2 =	seq.s32 @!p0 s5, $0x0  }
0x1f: {  	s9 =	smul.u32 $0xF7A, s1;
	s8 =	simm.s32 @!p0 $0x1BF5;
	p2 =	por !p2, p0  }
0x20: {  	[sflag:s8] =	ssyncset.s32 @!p0 $0xFFFFF086;
	s6 =	sadd.s32 @!p0 s3, s7;
	s7 =	simm.s32 @!p0 $0x108  }
0x21: {  	s3 =	sadd.s32 s3, s9;
	s6 =	sadd.s32 @!p0 $0x88, s6;
	s7 =	simm.s32 @p2 $0x1082  }
0x22: {  	[simem:s7], [sflag:s8] =	dma.local @!p0 [hbm:s6], $0xF7A  }
0x23: {  	s9 =	sor.u32 $0xD0000000, s2;
	s6 =	simm.s32 $0x108;
	_ =	swait.ge @!p0 [sflag:s8], $0x0  }
0x24: {  	s3 =	sadd.s32 $0x88, s3;
	s6 =	simm.s32 @!p1 $0x1082;
	[sflag:s4] =	ssyncset.s32 $0xFFFFF086  }
0x25: {  	[simem:s6], [sflag:s4] =	dma.local [hbm:s3], $0xF7A  }
0x26: {  	[smem:$0x3F9F] =	sst s1;
	(tag) =	ssettag s2;
	_ =	strace s9  }
0x27: {  	s1 =	sld [smem:$0x3FAF]  }
0x28: {  	s2 =	sld [smem:$0x3FB0]  }
0x29: {  	s4 =	sld [smem:$0x3FB2]  }
0x2a: {  	p0 =	seq.s32 s5, $0x0;
	s5 =	sld [smem:$0x3FB3]  }
0x2b: {  	s6 =	sld [smem:$0x3FB4]  }
0x2c: {  	s7 =	sld [smem:$0x3FB5]  }
0x2d: {  	s3 =	simm.s32 $0x108;
	s8 =	sld [smem:$0x3FB6]  }
0x2e: {  	s3 =	simm.s32 @!p0 $0x1082;
	s9 =	sld [smem:$0x3FB7]  }
0x2f: {  	lr =	sadd.s32 s0, s3;
	s0 =	sld [smem:$0x3FAE]  }
0x30: {  	s3 =	sld [smem:$0x3FB1]  }
0x31: {  	[smem:$0x3FBA] =	sst s10  }
0x32: {  	s10 =	sld [smem:$0x3FB8];
	_ =	sdelay $0x3  }
0x33: {  	p0 =	seq.s32 s10, $0x1;
	s10 =	sld [smem:$0x3FBA];
	_ =	sdelay $0x3  }
0x34: {  	[smem:$0x3FBA] =	sst s10  }
0x35: {  	s10 =	sld [smem:$0x3FB9];
	_ =	sdelay $0x3  }
0x36: {  	p1 =	seq.s32 s10, $0x1;
	s10 =	sld [smem:$0x3FBA];
	_ =	sdelay $0x3  }
0x37: {  	[smem:$0x3FBA] =	sst s10  }
0x38: {  	s10 =	sld [smem:$0x3FBB]  }
0x39: {  	_ = 	snop;
	(pc) =	sbr.ind lr, $3  }
0x3a: {  	_ = 	snop  }
0x3b: {  	_ = 	snop  }
0x3c: {  	p2 =	seq.s32 s10, $0x1;
	s10 =	sld [smem:$0x3FBA]  }
0x3d: {  	_ =	shalt  }
0x3e: {  	_ =	shalt  }
0x3f: {  	_ =	shalt  }
0x40: {  	_ =	shalt  }
0x41: {  	_ =	shalt  }
0x42: {  	_ =	shalt  }
0x43: {  	_ =	shalt  }
0x44: {  	_ =	shalt  }
0x45: {  	_ =	shalt  }
0x46: {  	_ =	shalt  }
0x47: {  	_ =	shalt  }
0x48: {  	_ =	shalt  }
0x49: {  	_ =	shalt  }
0x4a: {  	_ =	shalt  }
0x4b: {  	_ =	shalt  }
0x4c: {  	_ =	shalt  }
0x4d: {  	_ =	shalt  }
0x4e: {  	_ =	shalt  }
0x4f: {  	_ =	shalt  }
0x50: {  	_ =	shalt  }
0x51: {  	_ =	shalt  }
0x52: {  	_ =	shalt  }
0x53: {  	_ =	shalt  }
0x54: {  	_ =	shalt  }
0x55: {  	_ =	shalt  }
0x56: {  	_ =	shalt  }
0x57: {  	_ =	shalt  }
0x58: {  	_ =	shalt  }
0x59: {  	_ =	shalt  }
0x5a: {  	_ =	shalt  }
0x5b: {  	_ =	shalt  }
0x5c: {  	_ =	shalt  }
0x5d: {  	_ =	shalt  }
0x5e: {  	_ =	shalt  }
0x5f: {  	_ =	shalt  }
0x60: {  	_ =	shalt  }
0x61: {  	_ =	shalt  }
0x62: {  	_ =	shalt  }
0x63: {  	_ =	shalt  }
0x64: {  	_ =	shalt  }
0x65: {  	_ =	shalt  }
0x66: {  	_ =	shalt  }
0x67: {  	_ =	shalt  }
0x68: {  	_ =	shalt  }
0x69: {  	_ =	shalt  }
0x6a: {  	_ =	shalt  }
0x6b: {  	_ =	shalt  }
0x6c: {  	_ =	shalt  }
0x6d: {  	_ =	shalt  }
0x6e: {  	_ =	shalt  }
0x6f: {  	_ =	shalt  }
0x70: {  	_ =	shalt  }
0x71: {  	_ =	shalt  }
0x72: {  	_ =	shalt  }
0x73: {  	_ =	shalt  }
0x74: {  	_ =	shalt  }
0x75: {  	_ =	shalt  }
0x76: {  	_ =	shalt  }
0x77: {  	_ =	shalt  }
0x78: {  	_ =	shalt  }
0x79: {  	_ =	shalt  }
0x7a: {  	_ =	shalt  }
0x7b: {  	_ =	shalt  }
0x7c: {  	_ =	shalt  }
0x7d: {  	_ =	shalt  }
0x7e: {  	_ =	shalt  }
0x7f: {  	_ =	shalt  }
0x80: {  	_ =	shalt  }
0x81: {  	_ =	shalt  }
0x82: {  	_ =	shalt  }
0x83: {  	_ =	shalt  }
0x84: {  	_ =	shalt  }
0x85: {  	_ =	shalt  }
0x86: {  	_ =	shalt  }
0x87: {  	_ =	shalt  }
.Lfunc_end0:
.L_simem_size_0:
called_computation_lowered:
.L_overlay_start_0:
0x88: {  	s2 =	sld [smem:$0x3FD9]  }
0x89: {  	s3 =	sld [smem:$0x3FFE];
	_ =	sdelay $0x1  }
0x8a: {  	s1 =	srdreg.scid  }
0x8b: {  	s0 =	sand.u32 $0x1, s1  }
0x8c: {  	s17 =	sshll.u32 s0, $0xA;
	s2 =	sadd.s32 s3, s2  }
0x8d: {  	s2 =	sadd.s32 s2, s17  }
0x8e: {  	[smem:$0x3FC6] =	sst s2  }
0x8f: {  	_ = 	snop  }
0x90: {  	s2 =	sld [smem:$0x3FC8]  }
0x91: {  	s18 =	sld [smem:$0x3FD0];
	(tm) =	ssettm $0x1  }
0x92: {  	s4 =	sld [smem:$0x3FFB];
	_ =	sdelay $0x3  }
0x93: {  	_ =	strace s4  }
0x94: {  	s4 =	sld [smem:$0x3FFC];
	_ =	sdelay $0x3  }
0x95: {  	_ =	strace s4  }
0x96: {  	s4 =	sld [smem:$0x3FFD];
	_ =	sdelay $0x3  }
0x97: {  	_ =	strace s4  }
0x98: {  	_ =	strace $0x8FFFFFFF  }
0x99: {  	s19 =	sld [smem:$0x3FDB];
	_ =	sdelay $0x1  }
0x9a: {  	s5 =	simm.s32 $_scs_section_size  }
0x9b: {  	s6 =	simm.s32 $_size__tile_overlayer_lowered;
	s7 =	simm.s32 $_tile_overlayer_lowered  }
0x9c: {  	s22 =	simm.s32 $0x1BFF;
	s21 =	sshll.u32 s7, $0x1;
	s4 =	sadd.s32 s5, s19  }
0x9d: {  	s8 =	simm.s32 $0x0;
	s20 =	sshll.u32 s6, $0x1;
	s6 =	sadd.s32 s21, s4  }
0x9e: {  	[timem:s8], [sflag:s22] =	dma.local [hbm:s6], s20  }
0x9f: {  	_ =	swait.ge [sflag:s22], s20  }
0xa0: {  	s5 =	ssub.s32 $0x0, s20;
	[sflag:s22] =	ssyncset.done $0x0  }
0xa1: {  	[sflag:s22] =	ssyncadd.s32 s5;
	_ =	sdelay $0x1  }
0xa2: {  	s23 =	simm.s32 $0x1B8B  }
0xa3: {  	_ =	swait.ge [sflag:s23], $0x1  }
0xa4: {  	[sflag:s23] =	ssyncset.done $0x0  }
0xa5: {  	s25 =	simm.s32 $0x1B8E;
	s24 =	sld [smem:$0x3FFE];
	[sflag:s23] =	ssyncadd.s32 $0xFFFFFFFF  }
0xa6: {  	s26 =	simm.s32 $execute0_lowered;
	[smem:$0x3FD2] =	sst s25  }
0xa7: {  	s6 =	sshll.u32 s26, $0x1;
	_ =	strace $0x80000046;
	[dreg:$0x1] =	wrdreg $0xFFFFFFFF  }
0xa8: {  	s28 =	simm.s32 $_size_execute0_lowered;
	s4 =	sadd.s32 s4, s6;
	[dreg:$0x0] =	wrdreg $0x0  }
0xa9: {  	s6 =	sshll.u32 s28, $0x1;
	[dreg:$0x2] =	wrdreg s4  }
0xaa: {  	[dreg:$0x3] =	wrdreg s6  }
0xab: {  	[dreg:$0x4] =	wrdreg $0xC0  }
0xac: {  	_ =	task [dreg:s8], $0x5FFFF  }
0xad: {  	[dreg:$0x1] =	wrdreg $0xFFFFFFFF  }
0xae: {  	[dreg:$0x0] =	wrdreg $0x60  }
0xaf: {  	[dreg:$0x2] =	wrdreg s24  }
0xb0: {  	[dreg:$0x3] =	wrdreg s2  }
0xb1: {  	[dreg:$0x4] =	wrdreg s18  }
0xb2: {  	[dreg:$0x5] =	wrdreg $0x9  }
0xb3: {  	_ =	task.clear_ibuf [dreg:s8], $0x6FFFF;
	_ =	strace $0x90000046  }
0xb4: {  	s29 =	simm.s32 $0x9;
	_ =	strace $0x80000048  }
0xb5: {  	_ =	swait.ge [sflag:s29], $0x1  }
0xb6: {  	[sflag:s29] =	ssyncadd.s32 $0xFFFFFFFF  }
0xb7: {  	_ =	strace $0x90000048  }
0xb8: {  	_ =	sfence  }
0xb9: {  	s30 =	sld [smem:$0x0];
	_ =	sdelay $0x2  }
0xba: {  	s31 =	sshll.u32 s1, $0xD;
	s1 =	sshrl.u32 s1, $0x2  }
0xbb: {  	s3 =	sand.u32 $0x4000, s31;
	s1 =	sadd.s32 s1, s30  }
0xbc: {  	s0 =	sor.u32 s3, s0;
	s1 =	sshll.u32 s1, $0x11  }
0xbd: {  	s0 =	sor.u32 s1, s0  }
0xbe: {  	s0 =	sadd.s32 $0x8F2B, s0  }
0xbf: {  	[sflag:s0] =	ssyncadd.remote.s32 $0x1  }
0xc0: {  	_ =	sfence.sel $0xFFFF  }
0xc1: {  	[dreg:$0x0] =	wrdreg $0xFFFFFFFF;
	(pc) =	sbr.abs _section_cstart, $3  }
0xc2: {  	[dreg:$0x1] =	wrdreg $0xFFFFFFFF  }
0xc3: {  	_ =	task.clear_ibuf [dreg:s8], $0x2FFFF;
	_ =	strace $0x9FFFFFFF  }
0xc4: {  	(tm) =	ssettm $0x7FFFFFFF  }
0xc5: {  	_ =	shalt  }
tec
execute0_lowered:
.L_overlay_start_1:
0x0: {  	(tag) =	ssettag $0x1  }
0x1: {  	s0 =	rddreg [dreg:$0x0]  }
0x2: {  	s22 =	rddreg [dreg:$0x1]  }
0x3: {  	s6 =	rddreg [dreg:$0x2];
	s4 =	simm.s32 $0x0  }
0x4: {  	[smem:$0x7FF] =	sst s4;
	s28 =	sadd.s32 $0x1E00, s22  }
0x5: {  	s19 =	sadd.s32 $0x1800, s22;
	_ =	strace $0x80000047;
	[dreg:$0xd] =	wrdreg s28  }
0x6: {  	s20 =	sadd.s32 $0x1A00, s22;
	[dreg:$0xf] =	wrdreg s19  }
0x7: {  	s17 =	sadd.s32 $0x1400, s22;
	[dreg:$0x10] =	wrdreg s20  }
0x8: {  	s18 =	sadd.s32 $0x1600, s22;
	[dreg:$0x11] =	wrdreg s17  }
0x9: {  	s1 =	srdreg.scid;
	s16 =	sadd.s32 $0x1200, s22;
	[dreg:$0x12] =	wrdreg s18  }
0xa: {  	s13 =	stileid.u32;
	s11 =	sadd.s32 $0xC00, s22;
	[dreg:$0x14] =	wrdreg s16  }
0xb: {  	s1 =	sand.u32 $0x1, s1;
	s12 =	sadd.s32 $0xE00, s22;
	[dreg:$0x15] =	wrdreg s11  }
0xc: {  	s2 =	sshll.u32 s13, $0x1;
	s9 =	sadd.s32 $0x800, s22;
	[dreg:$0x16] =	wrdreg s12  }
0xd: {  	s7 =	sadd.s32 $0x400, s22;
	s10 =	sadd.s32 $0xA00, s22;
	[dreg:$0x17] =	wrdreg s9  }
0xe: {  	s8 =	sadd.s32 $0x600, s22;
	s2 =	sor.u32 s1, s2;
	[dreg:$0x18] =	wrdreg s10  }
0xf: {  	s1 =	ssub.s32 $0x2, s1;
	[dreg:$0x19] =	wrdreg s7;
	s3 =	sshll.u32 s2, $0xB  }
0x10: {  	[dreg:$0x1a] =	wrdreg s8;
	s5 =	sshrl.u32 s1, $0x1;
	s0 =	sadd.s32 s3, s0  }
0x11: {  	s1 =	ssub.s32 s1, s5;
	s3 =	sshll.u32 s13, $0x17;
	s13 =	sadd.s32 $0x1000, s22  }
0x12: {  	s5 =	smov.u32 s6;
	s6 =	sadd.s32 $0x200, s22;
	[dreg:$0x13] =	wrdreg s13  }
0x13: {  	s30 =	simm.s32 $0x7000;
	s0 =	sadd.s32 $0x400, s0;
	[dreg:$0x1b] =	wrdreg s6  }
0x14: {  	s2 =	sand.u32 $0x3, s2;
	s26 =	smax.u32 s1, $0x1;
	[dreg:$0x4] =	wrdreg s0  }
0x15: {  	s23 =	sshll.u32 s2, $0x16;
	s0 =	sand.u32 $0x7000000, s3;
	[dreg:$0x9] =	wrdreg s26  }
0x16: {  	s26 =	sadd.s32 $0x1C00, s22;
	[dreg:$0xb] =	wrdreg s0;
	s0 =	sor.u32 s0, s23  }
0x17: {  	s14 =	sadd.s32 $0x40, s5;
	[dreg:$0xe] =	wrdreg s26;
	s0 =	sshrl.u32 s0, $0x3  }
0x18: {  	s21 =	sor.u32 $0x7E000, s0;
	s15 =	sadd.s32 s5, s0;
	s0 =	sadd.s32 s0, s14  }
0x19: {  	s31 =	simm.s32 $0x7800;
	s2 =	simm.s32 $0x5000;
	[dreg:$0x6] =	wrdreg s0  }
0x1a: {  	s3 =	simm.s32 $0x5800;
	s24 =	sadd.s32 s21, s14;
	[dreg:$0x5] =	wrdreg s15  }
0x1b: {  	v0 =	vlaneseq.u32;
	s25 =	sadd.s32 s5, s21;
	s29 =	sadd.s32 $0x2000, s15;
	[dreg:$0x7] =	wrdreg s24  }
0x1c: {  	v1 =	vshrl.u32 v0, $0x2;
	s15 =	simm.s32 $0x6000;
	s21 =	simm.s32 $0xC800;
	[dreg:$0x8] =	wrdreg s25  }
0x1d: {  	vm0 =	vmmov $0xffff;
	v0 =	vand.u32 $0x3, v0;
	v1 =	vmul.u32 $0x8, v1;
	s14 =	simm.s32 $0x0;
	[dreg:$0xa] =	wrdreg s29;
	s24 =	simm.s32 $0x6800  }
.LBB2_1:
0x1e: {  	[dreg:$0xc] =	wrdreg s14  }
0x1f: {  	s1 =	rddreg [dreg:$0x4];
	s0 =	simm.s32 $0x7  }
0x20: {  	[tilespmem:s4], [sflag:$0x7] =	stream.linear.gather [hbm4b:s1+s4], $0x4000, $0x38;
	[tilespmem:$0x1C000] =	vst v63  }
0x21: {  	_ =	swait.ge [sflag:s0], $0x4000  }
0x22: {  	[sflag:s0] =	ssyncset.done $0x0  }
0x23: {  	[sflag:s0] =	ssyncadd.s32 $0xFFFFC000  }
0x24: {  	v2 =	vld.msk [tilespmem:$0x0], $0xf;
	_ =	sdelay $0x4  }
0x25: {  	v3 =	vshll.u32 v2, $0x6  }
0x26: {  	v2 =	vand.u32 $0x7, v2;
	v3 =	vand.u32 $0xFFFFFE00, v3  }
0x27: {  	v2 =	vor.u32 v2, v3  }
0x28: {  	v2 =	vperm.xlane v2, v0;
	_ =	sdelay $0x1  }
0x29: {  	v2 =	vadd.s32 v1, v2;
	_ =	sdelay $0x3  }
0x2a: {  	s1 =	simm.s32 $0x4000  }
0x2b: {  	[tilespmem:s1], [sflag:$0x1] =	stream.indirect_vreg.gather [hbm4b:s22+s4], $0x80, v2, vm0, $0xb8;
	[tilespmem:$0x1C000] =	vst v63  }
0x2c: {  	s14 =	simm.s32 $0x4800  }
0x2d: {  	[tilespmem:s14], [sflag:$0x1] =	stream.indirect_vreg.gather [hbm4b:s6+s4], $0x80, v2, vm0, $0xb8;
	[tilespmem:$0x1C000] =	vst v63  }
0x2e: {  	_ = 	snop  }
0x2f: {  	[tilespmem:s2], [sflag:$0x1] =	stream.indirect_vreg.gather [hbm4b:s7+s4], $0x80, v2, vm0, $0xb8;
	[tilespmem:$0x1C000] =	vst v63  }
0x30: {  	_ = 	snop  }
0x31: {  	[tilespmem:s3], [sflag:$0x1] =	stream.indirect_vreg.gather [hbm4b:s8+s4], $0x80, v2, vm0, $0xb8;
	[tilespmem:$0x1C000] =	vst v63  }
0x32: {  	_ = 	snop  }
0x33: {  	[tilespmem:s15], [sflag:$0x1] =	stream.indirect_vreg.gather [hbm4b:s9+s4], $0x80, v2, vm0, $0xb8;
	[tilespmem:$0x1C000] =	vst v63  }
0x34: {  	_ = 	snop  }
0x35: {  	[tilespmem:s24], [sflag:$0x1] =	stream.indirect_vreg.gather [hbm4b:s10+s4], $0x80, v2, vm0, $0xb8;
	[tilespmem:$0x1C000] =	vst v63  }
0x36: {  	_ = 	snop  }
0x37: {  	[tilespmem:s30], [sflag:$0x1] =	stream.indirect_vreg.gather [hbm4b:s11+s4], $0x80, v2, vm0, $0xb8;
	[tilespmem:$0x1C000] =	vst v63  }
0x38: {  	_ = 	snop  }
0x39: {  	[tilespmem:s31], [sflag:$0x1] =	stream.indirect_vreg.gather [hbm4b:s12+s4], $0x80, v2, vm0, $0xb8;
	[tilespmem:$0x1C000] =	vst v63  }
0x3a: {  	s25 =	simm.s32 $0x8000  }
0x3b: {  	[tilespmem:s25], [sflag:$0x1] =	stream.indirect_vreg.gather [hbm4b:s13+s4], $0x80, v2, vm0, $0xb8;
	[tilespmem:$0x1C000] =	vst v63  }
0x3c: {  	s29 =	simm.s32 $0x8800  }
0x3d: {  	[tilespmem:s29], [sflag:$0x1] =	stream.indirect_vreg.gather [hbm4b:s16+s4], $0x80, v2, vm0, $0xb8;
	[tilespmem:$0x1C000] =	vst v63  }
0x3e: {  	s14 =	simm.s32 $0x9000  }
0x3f: {  	[tilespmem:s14], [sflag:$0x1] =	stream.indirect_vreg.gather [hbm4b:s17+s4], $0x80, v2, vm0, $0xb8;
	[tilespmem:$0x1C000] =	vst v63  }
0x40: {  	s25 =	simm.s32 $0x9800  }
0x41: {  	[tilespmem:s25], [sflag:$0x1] =	stream.indirect_vreg.gather [hbm4b:s18+s4], $0x80, v2, vm0, $0xb8;
	[tilespmem:$0x1C000] =	vst v63  }
0x42: {  	s29 =	simm.s32 $0xA000  }
0x43: {  	[tilespmem:s29], [sflag:$0x1] =	stream.indirect_vreg.gather [hbm4b:s19+s4], $0x80, v2, vm0, $0xb8;
	[tilespmem:$0x1C000] =	vst v63  }
0x44: {  	s14 =	simm.s32 $0xA800  }
0x45: {  	[tilespmem:s14], [sflag:$0x1] =	stream.indirect_vreg.gather [hbm4b:s20+s4], $0x80, v2, vm0, $0xb8;
	[tilespmem:$0x1C000] =	vst v63  }
0x46: {  	s25 =	simm.s32 $0xB000  }
0x47: {  	[tilespmem:s25], [sflag:$0x1] =	stream.indirect_vreg.gather [hbm4b:s26+s4], $0x80, v2, vm0, $0xb8;
	[tilespmem:$0x1C000] =	vst v63  }
0x48: {  	s29 =	simm.s32 $0xB800  }
0x49: {  	[tilespmem:s29], [sflag:$0x1] =	stream.indirect_vreg.gather [hbm4b:s28+s4], $0x80, v2, vm0, $0xb8;
	[tilespmem:$0x1C000] =	vst v63  }
0x4a: {  	v2 =	vld.msk [tilespmem:$0x80], $0xf;
	_ =	sdelay $0x4  }
0x4b: {  	v3 =	vshll.u32 v2, $0x6  }
0x4c: {  	v2 =	vand.u32 $0x7, v2;
	v3 =	vand.u32 $0xFFFFFE00, v3  }
0x4d: {  	v2 =	vor.u32 v2, v3  }
0x4e: {  	v2 =	vperm.xlane v2, v0;
	_ =	sdelay $0x1  }
0x4f: {  	v2 =	vadd.s32 v1, v2;
	_ =	sdelay $0x3  }
0x50: {  	s14 =	simm.s32 $0xC000  }
0x51: {  	[tilespmem:s14], [sflag:$0x2] =	stream.indirect_vreg.gather [hbm4b:s22+s4], $0x80, v2, vm0, $0xb8;
	[tilespmem:$0x1C000] =	vst v63  }
0x52: {  	_ = 	snop  }
0x53: {  	[tilespmem:s21], [sflag:$0x2] =	stream.indirect_vreg.gather [hbm4b:s6+s4], $0x80, v2, vm0, $0xb8;
	[tilespmem:$0x1C000] =	vst v63  }
0x54: {  	s25 =	simm.s32 $0xD000  }
0x55: {  	[tilespmem:s25], [sflag:$0x2] =	stream.indirect_vreg.gather [hbm4b:s7+s4], $0x80, v2, vm0, $0xb8;
	[tilespmem:$0x1C000] =	vst v63  }
0x56: {  	s29 =	simm.s32 $0xD800  }
0x57: {  	[tilespmem:s29], [sflag:$0x2] =	stream.indirect_vreg.gather [hbm4b:s8+s4], $0x80, v2, vm0, $0xb8;
	[tilespmem:$0x1C000] =	vst v63  }
0x58: {  	s14 =	simm.s32 $0xE000  }
0x59: {  	[tilespmem:s14], [sflag:$0x2] =	stream.indirect_vreg.gather [hbm4b:s9+s4], $0x80, v2, vm0, $0xb8;
	[tilespmem:$0x1C000] =	vst v63  }
0x5a: {  	s25 =	simm.s32 $0xE800  }
0x5b: {  	[tilespmem:s25], [sflag:$0x2] =	stream.indirect_vreg.gather [hbm4b:s10+s4], $0x80, v2, vm0, $0xb8;
	[tilespmem:$0x1C000] =	vst v63  }
0x5c: {  	s29 =	simm.s32 $0xF000  }
0x5d: {  	[tilespmem:s29], [sflag:$0x2] =	stream.indirect_vreg.gather [hbm4b:s11+s4], $0x80, v2, vm0, $0xb8;
	[tilespmem:$0x1C000] =	vst v63  }
0x5e: {  	s14 =	simm.s32 $0xF800  }
0x5f: {  	[tilespmem:s14], [sflag:$0x2] =	stream.indirect_vreg.gather [hbm4b:s12+s4], $0x80, v2, vm0, $0xb8;
	[tilespmem:$0x1C000] =	vst v63  }
0x60: {  	s25 =	simm.s32 $0x10000  }
0x61: {  	[tilespmem:s25], [sflag:$0x2] =	stream.indirect_vreg.gather [hbm4b:s13+s4], $0x80, v2, vm0, $0xb8;
	[tilespmem:$0x1C000] =	vst v63  }
0x62: {  	s29 =	simm.s32 $0x10800  }
0x63: {  	[tilespmem:s29], [sflag:$0x2] =	stream.indirect_vreg.gather [hbm4b:s16+s4], $0x80, v2, vm0, $0xb8;
	[tilespmem:$0x1C000] =	vst v63  }
0x64: {  	s14 =	simm.s32 $0x11000  }
0x65: {  	[tilespmem:s14], [sflag:$0x2] =	stream.indirect_vreg.gather [hbm4b:s17+s4], $0x80, v2, vm0, $0xb8;
	[tilespmem:$0x1C000] =	vst v63  }
0x66: {  	s25 =	simm.s32 $0x11800  }
0x67: {  	[tilespmem:s25], [sflag:$0x2] =	stream.indirect_vreg.gather [hbm4b:s18+s4], $0x80, v2, vm0, $0xb8;
	[tilespmem:$0x1C000] =	vst v63  }
0x68: {  	s29 =	simm.s32 $0x12000  }
0x69: {  	[tilespmem:s29], [sflag:$0x2] =	stream.indirect_vreg.gather [hbm4b:s19+s4], $0x80, v2, vm0, $0xb8;
	[tilespmem:$0x1C000] =	vst v63  }
0x6a: {  	s14 =	simm.s32 $0x12800  }
0x6b: {  	[tilespmem:s14], [sflag:$0x2] =	stream.indirect_vreg.gather [hbm4b:s20+s4], $0x80, v2, vm0, $0xb8;
	[tilespmem:$0x1C000] =	vst v63  }
0x6c: {  	s25 =	simm.s32 $0x13000  }
0x6d: {  	[tilespmem:s25], [sflag:$0x2] =	stream.indirect_vreg.gather [hbm4b:s26+s4], $0x80, v2, vm0, $0xb8;
	[tilespmem:$0x1C000] =	vst v63  }
0x6e: {  	s29 =	simm.s32 $0x13800;
	s14 =	simm.s32 $0x1  }
0x6f: {  	[tilespmem:s29], [sflag:$0x2] =	stream.indirect_vreg.gather [hbm4b:s28+s4], $0x80, v2, vm0, $0xb8;
	[tilespmem:$0x1C000] =	vst v63  }
0x70: {  	_ =	swait.ge [sflag:s14], $0x8000  }
0x71: {  	s29 =	simm.s32 $0x400;
	[sflag:s14] =	ssyncset.done $0x0  }
0x72: {  	s25 =	rddreg [dreg:$0x5];
	[sflag:s14] =	ssyncadd.s32 $0xFFFF8000;
	s14 =	simm.s32 $0x200  }
0x73: {  	[hbm4b:s25+s14] =	stream.strided.scatter [tilespmem:s1], [sflag:$0x4], $0x8000, s29, s14, $0x38;
	[tilespmem:$0x1C000] =	vst v63  }
0x74: {  	v2 =	vld.msk [tilespmem:$0x100], $0xf;
	_ =	sdelay $0x4  }
0x75: {  	v3 =	vshll.u32 v2, $0x6  }
0x76: {  	v2 =	vand.u32 $0x7, v2;
	v3 =	vand.u32 $0xFFFFFE00, v3  }
0x77: {  	v2 =	vor.u32 v2, v3  }
0x78: {  	v2 =	vperm.xlane v2, v0;
	_ =	sdelay $0x1  }
0x79: {  	v2 =	vadd.s32 v1, v2;
	_ =	sdelay $0x3  }
0x7a: {  	s25 =	simm.s32 $0x14000  }
0x7b: {  	[tilespmem:s25], [sflag:$0x3] =	stream.indirect_vreg.gather [hbm4b:s22+s4], $0x80, v2, vm0, $0xb8;
	[tilespmem:$0x1C000] =	vst v63  }
0x7c: {  	s25 =	simm.s32 $0x14800  }
0x7d: {  	[tilespmem:s25], [sflag:$0x3] =	stream.indirect_vreg.gather [hbm4b:s6+s4], $0x80, v2, vm0, $0xb8;
	[tilespmem:$0x1C000] =	vst v63  }
0x7e: {  	s25 =	simm.s32 $0x15000  }
0x7f: {  	[tilespmem:s25], [sflag:$0x3] =	stream.indirect_vreg.gather [hbm4b:s7+s4], $0x80, v2, vm0, $0xb8;
	[tilespmem:$0x1C000] =	vst v63  }
0x80: {  	s25 =	simm.s32 $0x15800  }
0x81: {  	[tilespmem:s25], [sflag:$0x3] =	stream.indirect_vreg.gather [hbm4b:s8+s4], $0x80, v2, vm0, $0xb8;
	[tilespmem:$0x1C000] =	vst v63  }
0x82: {  	s25 =	simm.s32 $0x16000  }
0x83: {  	[tilespmem:s25], [sflag:$0x3] =	stream.indirect_vreg.gather [hbm4b:s9+s4], $0x80, v2, vm0, $0xb8;
	[tilespmem:$0x1C000] =	vst v63  }
0x84: {  	s25 =	simm.s32 $0x16800  }
0x85: {  	[tilespmem:s25], [sflag:$0x3] =	stream.indirect_vreg.gather [hbm4b:s10+s4], $0x80, v2, vm0, $0xb8;
	[tilespmem:$0x1C000] =	vst v63  }
0x86: {  	s25 =	simm.s32 $0x17000  }
0x87: {  	[tilespmem:s25], [sflag:$0x3] =	stream.indirect_vreg.gather [hbm4b:s11+s4], $0x80, v2, vm0, $0xb8;
	[tilespmem:$0x1C000] =	vst v63  }
0x88: {  	s25 =	simm.s32 $0x17800  }
0x89: {  	[tilespmem:s25], [sflag:$0x3] =	stream.indirect_vreg.gather [hbm4b:s12+s4], $0x80, v2, vm0, $0xb8;
	[tilespmem:$0x1C000] =	vst v63  }
0x8a: {  	s25 =	simm.s32 $0x18000  }
0x8b: {  	[tilespmem:s25], [sflag:$0x3] =	stream.indirect_vreg.gather [hbm4b:s13+s4], $0x80, v2, vm0, $0xb8;
	[tilespmem:$0x1C000] =	vst v63  }
0x8c: {  	s25 =	simm.s32 $0x18800  }
0x8d: {  	[tilespmem:s25], [sflag:$0x3] =	stream.indirect_vreg.gather [hbm4b:s16+s4], $0x80, v2, vm0, $0xb8;
	[tilespmem:$0x1C000] =	vst v63  }
0x8e: {  	s25 =	simm.s32 $0x19000  }
0x8f: {  	[tilespmem:s25], [sflag:$0x3] =	stream.indirect_vreg.gather [hbm4b:s17+s4], $0x80, v2, vm0, $0xb8;
	[tilespmem:$0x1C000] =	vst v63  }
0x90: {  	s25 =	simm.s32 $0x19800  }
0x91: {  	[tilespmem:s25], [sflag:$0x3] =	stream.indirect_vreg.gather [hbm4b:s18+s4], $0x80, v2, vm0, $0xb8;
	[tilespmem:$0x1C000] =	vst v63  }
0x92: {  	s25 =	simm.s32 $0x1A000  }
0x93: {  	[tilespmem:s25], [sflag:$0x3] =	stream.indirect_vreg.gather [hbm4b:s19+s4], $0x80, v2, vm0, $0xb8;
	[tilespmem:$0x1C000] =	vst v63  }
0x94: {  	s25 =	simm.s32 $0x1A800  }
0x95: {  	[tilespmem:s25], [sflag:$0x3] =	stream.indirect_vreg.gather [hbm4b:s20+s4], $0x80, v2, vm0, $0xb8;
	[tilespmem:$0x1C000] =	vst v63  }
0x96: {  	s25 =	simm.s32 $0x1B000  }
0x97: {  	[tilespmem:s25], [sflag:$0x3] =	stream.indirect_vreg.gather [hbm4b:s26+s4], $0x80, v2, vm0, $0xb8;
	[tilespmem:$0x1C000] =	vst v63  }
0x98: {  	s25 =	simm.s32 $0x1B800  }
0x99: {  	[tilespmem:s25], [sflag:$0x3] =	stream.indirect_vreg.gather [hbm4b:s28+s4], $0x80, v2, vm0, $0xb8;
	[tilespmem:$0x1C000] =	vst v63  }
0x9a: {  	s25 =	simm.s32 $0x2  }
0x9b: {  	_ =	swait.ge [sflag:s25], $0x8000  }
0x9c: {  	[sflag:s25] =	ssyncset.done $0x0  }
0x9d: {  	s0 =	rddreg [dreg:$0x6];
	[sflag:s25] =	ssyncadd.s32 $0xFFFF8000;
	s25 =	simm.s32 $0xC000  }
0x9e: {  	[hbm4b:s0+s14] =	stream.strided.scatter [tilespmem:s25], [sflag:$0x5], $0x8000, s29, s14, $0x38;
	[tilespmem:$0x1C000] =	vst v63  }
0x9f: {  	s0 =	simm.s32 $0x4  }
0xa0: {  	_ =	swait.ge [sflag:s0], $0x8000  }
0xa1: {  	[sflag:s0] =	ssyncset.done $0x0  }
0xa2: {  	[sflag:s0] =	ssyncadd.s32 $0xFFFF8000  }
0xa3: {  	v2 =	vld.msk [tilespmem:$0x180], $0xf;
	_ =	sdelay $0x4  }
0xa4: {  	v3 =	vshll.u32 v2, $0x6  }
0xa5: {  	v2 =	vand.u32 $0x7, v2;
	v3 =	vand.u32 $0xFFFFFE00, v3  }
0xa6: {  	v2 =	vor.u32 v2, v3  }
0xa7: {  	v2 =	vperm.xlane v2, v0;
	_ =	sdelay $0x1  }
0xa8: {  	v2 =	vadd.s32 v1, v2;
	_ =	sdelay $0x4  }
0xa9: {  	[tilespmem:s1], [sflag:$0x1] =	stream.indirect_vreg.gather [hbm4b:s22+s4], $0x80, v2, vm0, $0xb8;
	[tilespmem:$0x1C000] =	vst v63  }
0xaa: {  	s1 =	simm.s32 $0x4800  }
0xab: {  	[tilespmem:s1], [sflag:$0x1] =	stream.indirect_vreg.gather [hbm4b:s6+s4], $0x80, v2, vm0, $0xb8;
	[tilespmem:$0x1C000] =	vst v63  }
0xac: {  	_ = 	snop  }
0xad: {  	[tilespmem:s2], [sflag:$0x1] =	stream.indirect_vreg.gather [hbm4b:s7+s4], $0x80, v2, vm0, $0xb8;
	[tilespmem:$0x1C000] =	vst v63  }
0xae: {  	_ = 	snop  }
0xaf: {  	[tilespmem:s3], [sflag:$0x1] =	stream.indirect_vreg.gather [hbm4b:s8+s4], $0x80, v2, vm0, $0xb8;
	[tilespmem:$0x1C000] =	vst v63  }
0xb0: {  	_ = 	snop  }
0xb1: {  	[tilespmem:s15], [sflag:$0x1] =	stream.indirect_vreg.gather [hbm4b:s9+s4], $0x80, v2, vm0, $0xb8;
	[tilespmem:$0x1C000] =	vst v63  }
0xb2: {  	_ = 	snop  }
0xb3: {  	[tilespmem:s24], [sflag:$0x1] =	stream.indirect_vreg.gather [hbm4b:s10+s4], $0x80, v2, vm0, $0xb8;
	[tilespmem:$0x1C000] =	vst v63  }
0xb4: {  	_ = 	snop  }
0xb5: {  	[tilespmem:s30], [sflag:$0x1] =	stream.indirect_vreg.gather [hbm4b:s11+s4], $0x80, v2, vm0, $0xb8;
	[tilespmem:$0x1C000] =	vst v63  }
0xb6: {  	_ = 	snop  }
0xb7: {  	[tilespmem:s31], [sflag:$0x1] =	stream.indirect_vreg.gather [hbm4b:s12+s4], $0x80, v2, vm0, $0xb8;
	[tilespmem:$0x1C000] =	vst v63  }
0xb8: {  	s3 =	simm.s32 $0x8000  }
0xb9: {  	[tilespmem:s3], [sflag:$0x1] =	stream.indirect_vreg.gather [hbm4b:s13+s4], $0x80, v2, vm0, $0xb8;
	[tilespmem:$0x1C000] =	vst v63  }
0xba: {  	s15 =	simm.s32 $0x8800  }
0xbb: {  	[tilespmem:s15], [sflag:$0x1] =	stream.indirect_vreg.gather [hbm4b:s16+s4], $0x80, v2, vm0, $0xb8;
	[tilespmem:$0x1C000] =	vst v63  }
0xbc: {  	s24 =	simm.s32 $0x9000  }
0xbd: {  	[tilespmem:s24], [sflag:$0x1] =	stream.indirect_vreg.gather [hbm4b:s17+s4], $0x80, v2, vm0, $0xb8;
	[tilespmem:$0x1C000] =	vst v63  }
0xbe: {  	s1 =	simm.s32 $0x9800  }
0xbf: {  	[tilespmem:s1], [sflag:$0x1] =	stream.indirect_vreg.gather [hbm4b:s18+s4], $0x80, v2, vm0, $0xb8;
	[tilespmem:$0x1C000] =	vst v63  }
0xc0: {  	s2 =	simm.s32 $0xA000  }
0xc1: {  	[tilespmem:s2], [sflag:$0x1] =	stream.indirect_vreg.gather [hbm4b:s19+s4], $0x80, v2, vm0, $0xb8;
	[tilespmem:$0x1C000] =	vst v63  }
0xc2: {  	s3 =	simm.s32 $0xA800  }
0xc3: {  	[tilespmem:s3], [sflag:$0x1] =	stream.indirect_vreg.gather [hbm4b:s20+s4], $0x80, v2, vm0, $0xb8;
	[tilespmem:$0x1C000] =	vst v63  }
0xc4: {  	s15 =	simm.s32 $0xB000  }
0xc5: {  	[tilespmem:s15], [sflag:$0x1] =	stream.indirect_vreg.gather [hbm4b:s26+s4], $0x80, v2, vm0, $0xb8;
	[tilespmem:$0x1C000] =	vst v63  }
0xc6: {  	s24 =	simm.s32 $0xB800;
	s1 =	simm.s32 $0x3  }
0xc7: {  	[tilespmem:s24], [sflag:$0x1] =	stream.indirect_vreg.gather [hbm4b:s28+s4], $0x80, v2, vm0, $0xb8;
	[tilespmem:$0x1C000] =	vst v63  }
0xc8: {  	_ =	swait.ge [sflag:s1], $0x8000  }
0xc9: {  	s30 =	simm.s32 $0x14000;
	[sflag:s1] =	ssyncset.done $0x0  }
0xca: {  	s3 =	simm.s32 $0x5;
	s2 =	rddreg [dreg:$0xa];
	[sflag:s1] =	ssyncadd.s32 $0xFFFF8000  }
0xcb: {  	[hbm4b:s2+s14] =	stream.strided.scatter [tilespmem:s30], [sflag:$0x6], $0x8000, s29, s14, $0x38;
	[tilespmem:$0x1C000] =	vst v63  }
0xcc: {  	_ =	swait.ge [sflag:s3], $0x8000  }
0xcd: {  	[sflag:s3] =	ssyncset.done $0x0  }
0xce: {  	[sflag:s3] =	ssyncadd.s32 $0xFFFF8000  }
0xcf: {  	v2 =	vld.msk [tilespmem:$0x200], $0xf;
	_ =	sdelay $0x4  }
0xd0: {  	v3 =	vshll.u32 v2, $0x6  }
0xd1: {  	v2 =	vand.u32 $0x7, v2;
	v3 =	vand.u32 $0xFFFFFE00, v3  }
0xd2: {  	v2 =	vor.u32 v2, v3  }
0xd3: {  	v2 =	vperm.xlane v2, v0;
	_ =	sdelay $0x1  }
0xd4: {  	v2 =	vadd.s32 v1, v2;
	_ =	sdelay $0x3  }
0xd5: {  	s25 =	simm.s32 $0xC000  }
0xd6: {  	[tilespmem:s25], [sflag:$0x2] =	stream.indirect_vreg.gather [hbm4b:s22+s4], $0x80, v2, vm0, $0xb8;
	[tilespmem:$0x1C000] =	vst v63  }
0xd7: {  	_ = 	snop  }
0xd8: {  	[tilespmem:s21], [sflag:$0x2] =	stream.indirect_vreg.gather [hbm4b:s6+s4], $0x80, v2, vm0, $0xb8;
	[tilespmem:$0x1C000] =	vst v63  }
0xd9: {  	s6 =	simm.s32 $0xD000  }
0xda: {  	[tilespmem:s6], [sflag:$0x2] =	stream.indirect_vreg.gather [hbm4b:s7+s4], $0x80, v2, vm0, $0xb8;
	[tilespmem:$0x1C000] =	vst v63  }
0xdb: {  	s7 =	simm.s32 $0xD800  }
0xdc: {  	[tilespmem:s7], [sflag:$0x2] =	stream.indirect_vreg.gather [hbm4b:s8+s4], $0x80, v2, vm0, $0xb8;
	[tilespmem:$0x1C000] =	vst v63  }
0xdd: {  	s8 =	simm.s32 $0xE000  }
0xde: {  	[tilespmem:s8], [sflag:$0x2] =	stream.indirect_vreg.gather [hbm4b:s9+s4], $0x80, v2, vm0, $0xb8;
	[tilespmem:$0x1C000] =	vst v63  }
0xdf: {  	s9 =	simm.s32 $0xE800  }
0xe0: {  	[tilespmem:s9], [sflag:$0x2] =	stream.indirect_vreg.gather [hbm4b:s10+s4], $0x80, v2, vm0, $0xb8;
	[tilespmem:$0x1C000] =	vst v63  }
0xe1: {  	s10 =	simm.s32 $0xF000  }
0xe2: {  	[tilespmem:s10], [sflag:$0x2] =	stream.indirect_vreg.gather [hbm4b:s11+s4], $0x80, v2, vm0, $0xb8;
	[tilespmem:$0x1C000] =	vst v63  }
0xe3: {  	s11 =	simm.s32 $0xF800  }
0xe4: {  	[tilespmem:s11], [sflag:$0x2] =	stream.indirect_vreg.gather [hbm4b:s12+s4], $0x80, v2, vm0, $0xb8;
	[tilespmem:$0x1C000] =	vst v63  }
0xe5: {  	s14 =	simm.s32 $0x10000  }
0xe6: {  	[tilespmem:s14], [sflag:$0x2] =	stream.indirect_vreg.gather [hbm4b:s13+s4], $0x80, v2, vm0, $0xb8;
	[tilespmem:$0x1C000] =	vst v63  }
0xe7: {  	s15 =	simm.s32 $0x10800  }
0xe8: {  	[tilespmem:s15], [sflag:$0x2] =	stream.indirect_vreg.gather [hbm4b:s16+s4], $0x80, v2, vm0, $0xb8;
	[tilespmem:$0x1C000] =	vst v63  }
0xe9: {  	s16 =	simm.s32 $0x11000  }
0xea: {  	[tilespmem:s16], [sflag:$0x2] =	stream.indirect_vreg.gather [hbm4b:s17+s4], $0x80, v2, vm0, $0xb8;
	[tilespmem:$0x1C000] =	vst v63  }
0xeb: {  	s17 =	simm.s32 $0x11800  }
0xec: {  	[tilespmem:s17], [sflag:$0x2] =	stream.indirect_vreg.gather [hbm4b:s18+s4], $0x80, v2, vm0, $0xb8;
	[tilespmem:$0x1C000] =	vst v63  }
0xed: {  	s21 =	simm.s32 $0x12000  }
0xee: {  	[tilespmem:s21], [sflag:$0x2] =	stream.indirect_vreg.gather [hbm4b:s19+s4], $0x80, v2, vm0, $0xb8;
	[tilespmem:$0x1C000] =	vst v63  }
0xef: {  	s24 =	simm.s32 $0x12800  }
0xf0: {  	[tilespmem:s24], [sflag:$0x2] =	stream.indirect_vreg.gather [hbm4b:s20+s4], $0x80, v2, vm0, $0xb8;
	[tilespmem:$0x1C000] =	vst v63  }
0xf1: {  	s31 =	simm.s32 $0x0;
	s29 =	simm.s32 $0x13800;
	s25 =	simm.s32 $0x13000  }
0xf2: {  	[tilespmem:s25], [sflag:$0x2] =	stream.indirect_vreg.gather [hbm4b:s26+s4], $0x80, v2, vm0, $0xb8;
	[tilespmem:$0x1C000] =	vst v63  }
0xf3: {  	s15 =	simm.s32 $0x200;
	s24 =	simm.s32 $0x0;
	s25 =	rddreg [dreg:$0xb]  }
0xf4: {  	[tilespmem:s29], [sflag:$0x2] =	stream.indirect_vreg.gather [hbm4b:s28+s4], $0x80, v2, vm0, $0xb8;
	[tilespmem:$0x1C000] =	vst v63  }
.LBB2_2:
0xf5: {  	s0 =	smov.u32 s23;
	s23 =	sadd.s32 s24, s23  }
0xf6: {  	s2 =	sadd.s32 $0x18000, s23  }
0xf7: {  	s3 =	sand.u32 $0x200, s15;
	s2 =	sand.u32 $0x1FF0000, s2  }
0xf8: {  	s1 =	simm.s32 $0x1;
	s11 =	simm.s32 $0x4000;
	s2 =	sadd.s32 s25, s2  }
0xf9: {  	s29 =	simm.s32 $0x400;
	_ =	swait.ge [sflag:s1], $0x8000;
	s2 =	sor.u32 s3, s2  }
0xfa: {  	s14 =	simm.s32 $0x200;
	[sflag:s1] =	ssyncset.done $0x0;
	s2 =	sshrl.u32 s2, $0x3  }
0xfb: {  	s12 =	simm.s32 $0x6;
	[sflag:s1] =	ssyncadd.s32 $0xFFFF8000;
	s2 =	sadd.s32 s5, s2  }
0xfc: {  	[hbm4b:s2+s14] =	stream.strided.scatter [tilespmem:s11], [sflag:$0x4], $0x8000, s29, s14, $0x38;
	[tilespmem:$0x1C000] =	vst v63  }
0xfd: {  	_ =	swait.ge [sflag:s12], $0x8000  }
0xfe: {  	[sflag:s12] =	ssyncset.done $0x0  }
0xff: {  	s2 =	sshra.s32 s31, $0x2;
	[sflag:s12] =	ssyncadd.s32 $0xFFFF8000  }
0x100: {  	v2 =	vld.msk [tilespmem:s2+$0x280], $0xf;
	_ =	sdelay $0x4  }
0x101: {  	v3 =	vshll.u32 v2, $0x6  }
0x102: {  	v2 =	vand.u32 $0x7, v2;
	v3 =	vand.u32 $0xFFFFFE00, v3  }
0x103: {  	v2 =	vor.u32 v2, v3  }
0x104: {  	v2 =	vperm.xlane v2, v0;
	_ =	sdelay $0x1  }
0x105: {  	v2 =	vadd.s32 v1, v2;
	_ =	sdelay $0x4  }
0x106: {  	[tilespmem:s30], [sflag:$0x3] =	stream.indirect_vreg.gather [hbm4b:s22+s4], $0x80, v2, vm0, $0xb8;
	[tilespmem:$0x1C000] =	vst v63  }
0x107: {  	s13 =	simm.s32 $0x14800;
	s6 =	rddreg [dreg:$0x1b]  }
0x108: {  	[tilespmem:s13], [sflag:$0x3] =	stream.indirect_vreg.gather [hbm4b:s6+s4], $0x80, v2, vm0, $0xb8;
	[tilespmem:$0x1C000] =	vst v63  }
0x109: {  	s16 =	simm.s32 $0x15000;
	s9 =	rddreg [dreg:$0x19]  }
0x10a: {  	[tilespmem:s16], [sflag:$0x3] =	stream.indirect_vreg.gather [hbm4b:s9+s4], $0x80, v2, vm0, $0xb8;
	[tilespmem:$0x1C000] =	vst v63  }
0x10b: {  	s17 =	simm.s32 $0x15800;
	s7 =	rddreg [dreg:$0x1a]  }
0x10c: {  	[tilespmem:s17], [sflag:$0x3] =	stream.indirect_vreg.gather [hbm4b:s7+s4], $0x80, v2, vm0, $0xb8;
	[tilespmem:$0x1C000] =	vst v63  }
0x10d: {  	s18 =	simm.s32 $0x16000;
	s11 =	rddreg [dreg:$0x17]  }
0x10e: {  	[tilespmem:s18], [sflag:$0x3] =	stream.indirect_vreg.gather [hbm4b:s11+s4], $0x80, v2, vm0, $0xb8;
	[tilespmem:$0x1C000] =	vst v63  }
0x10f: {  	s19 =	simm.s32 $0x16800;
	s8 =	rddreg [dreg:$0x18]  }
0x110: {  	[tilespmem:s19], [sflag:$0x3] =	stream.indirect_vreg.gather [hbm4b:s8+s4], $0x80, v2, vm0, $0xb8;
	[tilespmem:$0x1C000] =	vst v63  }
0x111: {  	s20 =	simm.s32 $0x17000;
	s13 =	rddreg [dreg:$0x15]  }
0x112: {  	[tilespmem:s20], [sflag:$0x3] =	stream.indirect_vreg.gather [hbm4b:s13+s4], $0x80, v2, vm0, $0xb8;
	[tilespmem:$0x1C000] =	vst v63  }
0x113: {  	s21 =	simm.s32 $0x17800;
	s10 =	rddreg [dreg:$0x16]  }
0x114: {  	[tilespmem:s21], [sflag:$0x3] =	stream.indirect_vreg.gather [hbm4b:s10+s4], $0x80, v2, vm0, $0xb8;
	[tilespmem:$0x1C000] =	vst v63  }
0x115: {  	s26 =	simm.s32 $0x18000;
	s17 =	rddreg [dreg:$0x13]  }
0x116: {  	[tilespmem:s26], [sflag:$0x3] =	stream.indirect_vreg.gather [hbm4b:s17+s4], $0x80, v2, vm0, $0xb8;
	[tilespmem:$0x1C000] =	vst v63  }
0x117: {  	s28 =	simm.s32 $0x18800;
	s12 =	rddreg [dreg:$0x14]  }
0x118: {  	[tilespmem:s28], [sflag:$0x3] =	stream.indirect_vreg.gather [hbm4b:s12+s4], $0x80, v2, vm0, $0xb8;
	[tilespmem:$0x1C000] =	vst v63  }
0x119: {  	s16 =	simm.s32 $0x19000;
	s19 =	rddreg [dreg:$0x11]  }
0x11a: {  	[tilespmem:s16], [sflag:$0x3] =	stream.indirect_vreg.gather [hbm4b:s19+s4], $0x80, v2, vm0, $0xb8;
	[tilespmem:$0x1C000] =	vst v63  }
0x11b: {  	s18 =	simm.s32 $0x19800;
	s16 =	rddreg [dreg:$0x12]  }
0x11c: {  	[tilespmem:s18], [sflag:$0x3] =	stream.indirect_vreg.gather [hbm4b:s16+s4], $0x80, v2, vm0, $0xb8;
	[tilespmem:$0x1C000] =	vst v63  }
0x11d: {  	s20 =	simm.s32 $0x1A000;
	s26 =	rddreg [dreg:$0xf]  }
0x11e: {  	[tilespmem:s20], [sflag:$0x3] =	stream.indirect_vreg.gather [hbm4b:s26+s4], $0x80, v2, vm0, $0xb8;
	[tilespmem:$0x1C000] =	vst v63  }
0x11f: {  	s21 =	simm.s32 $0x1A800;
	s18 =	rddreg [dreg:$0x10]  }
0x120: {  	[tilespmem:s21], [sflag:$0x3] =	stream.indirect_vreg.gather [hbm4b:s18+s4], $0x80, v2, vm0, $0xb8;
	[tilespmem:$0x1C000] =	vst v63  }
0x121: {  	s28 =	simm.s32 $0x1B000;
	s20 =	rddreg [dreg:$0xe]  }
0x122: {  	[tilespmem:s28], [sflag:$0x3] =	stream.indirect_vreg.gather [hbm4b:s20+s4], $0x80, v2, vm0, $0xb8;
	[tilespmem:$0x1C000] =	vst v63  }
0x123: {  	s21 =	simm.s32 $0x1B800;
	s28 =	rddreg [dreg:$0xd]  }
0x124: {  	[tilespmem:s21], [sflag:$0x3] =	stream.indirect_vreg.gather [hbm4b:s28+s4], $0x80, v2, vm0, $0xb8;
	[tilespmem:$0x1C000] =	vst v63  }
0x125: {  	s1 =	smov.u32 s22;
	s21 =	sadd.s32 $0x20000, s23  }
0x126: {  	s30 =	smov.u32 s5;
	s22 =	sand.u32 $0x1FF0000, s21;
	s21 =	sadd.s32 $0x800, s31  }
0x127: {  	s22 =	sadd.s32 s25, s22;
	s5 =	sand.u32 $0x200, s21;
	s21 =	simm.s32 $0x2  }
0x128: {  	s5 =	sor.u32 s5, s22;
	_ =	swait.ge [sflag:s21], $0x8000  }
0x129: {  	[sflag:s21] =	ssyncset.done $0x0;
	s5 =	sshrl.u32 s5, $0x3  }
0x12a: {  	[sflag:s21] =	ssyncadd.s32 $0xFFFF8000;
	s5 =	sadd.s32 s30, s5;
	s21 =	simm.s32 $0xC000  }
0x12b: {  	[hbm4b:s5+s14] =	stream.strided.scatter [tilespmem:s21], [sflag:$0x5], $0x8000, s29, s14, $0x38;
	[tilespmem:$0x1C000] =	vst v63  }
0x12c: {  	s5 =	simm.s32 $0x4  }
0x12d: {  	_ =	swait.ge [sflag:s5], $0x8000  }
0x12e: {  	[sflag:s5] =	ssyncset.done $0x0  }
0x12f: {  	[sflag:s5] =	ssyncadd.s32 $0xFFFF8000  }
0x130: {  	v2 =	vld.msk [tilespmem:s2+$0x300], $0xf;
	_ =	sdelay $0x4  }
0x131: {  	v3 =	vshll.u32 v2, $0x6  }
0x132: {  	v2 =	vand.u32 $0x7, v2;
	v3 =	vand.u32 $0xFFFFFE00, v3  }
0x133: {  	v2 =	vor.u32 v2, v3  }
0x134: {  	v2 =	vperm.xlane v2, v0;
	_ =	sdelay $0x1  }
0x135: {  	v2 =	vadd.s32 v1, v2;
	_ =	sdelay $0x3  }
0x136: {  	s22 =	smov.u32 s1;
	s5 =	simm.s32 $0x4000  }
0x137: {  	[tilespmem:s5], [sflag:$0x1] =	stream.indirect_vreg.gather [hbm4b:s22+s4], $0x80, v2, vm0, $0xb8;
	[tilespmem:$0x1C000] =	vst v63  }
0x138: {  	s5 =	simm.s32 $0x4800  }
0x139: {  	[tilespmem:s5], [sflag:$0x1] =	stream.indirect_vreg.gather [hbm4b:s6+s4], $0x80, v2, vm0, $0xb8;
	[tilespmem:$0x1C000] =	vst v63  }
0x13a: {  	s5 =	simm.s32 $0x5000  }
0x13b: {  	[tilespmem:s5], [sflag:$0x1] =	stream.indirect_vreg.gather [hbm4b:s9+s4], $0x80, v2, vm0, $0xb8;
	[tilespmem:$0x1C000] =	vst v63  }
0x13c: {  	s5 =	simm.s32 $0x5800  }
0x13d: {  	[tilespmem:s5], [sflag:$0x1] =	stream.indirect_vreg.gather [hbm4b:s7+s4], $0x80, v2, vm0, $0xb8;
	[tilespmem:$0x1C000] =	vst v63  }
0x13e: {  	s5 =	simm.s32 $0x6000  }
0x13f: {  	[tilespmem:s5], [sflag:$0x1] =	stream.indirect_vreg.gather [hbm4b:s11+s4], $0x80, v2, vm0, $0xb8;
	[tilespmem:$0x1C000] =	vst v63  }
0x140: {  	s5 =	simm.s32 $0x6800  }
0x141: {  	[tilespmem:s5], [sflag:$0x1] =	stream.indirect_vreg.gather [hbm4b:s8+s4], $0x80, v2, vm0, $0xb8;
	[tilespmem:$0x1C000] =	vst v63  }
0x142: {  	s5 =	simm.s32 $0x7000  }
0x143: {  	[tilespmem:s5], [sflag:$0x1] =	stream.indirect_vreg.gather [hbm4b:s13+s4], $0x80, v2, vm0, $0xb8;
	[tilespmem:$0x1C000] =	vst v63  }
0x144: {  	s5 =	simm.s32 $0x7800  }
0x145: {  	[tilespmem:s5], [sflag:$0x1] =	stream.indirect_vreg.gather [hbm4b:s10+s4], $0x80, v2, vm0, $0xb8;
	[tilespmem:$0x1C000] =	vst v63  }
0x146: {  	s5 =	simm.s32 $0x8000  }
0x147: {  	[tilespmem:s5], [sflag:$0x1] =	stream.indirect_vreg.gather [hbm4b:s17+s4], $0x80, v2, vm0, $0xb8;
	[tilespmem:$0x1C000] =	vst v63  }
0x148: {  	s5 =	simm.s32 $0x8800  }
0x149: {  	[tilespmem:s5], [sflag:$0x1] =	stream.indirect_vreg.gather [hbm4b:s12+s4], $0x80, v2, vm0, $0xb8;
	[tilespmem:$0x1C000] =	vst v63  }
0x14a: {  	s5 =	simm.s32 $0x9000  }
0x14b: {  	[tilespmem:s5], [sflag:$0x1] =	stream.indirect_vreg.gather [hbm4b:s19+s4], $0x80, v2, vm0, $0xb8;
	[tilespmem:$0x1C000] =	vst v63  }
0x14c: {  	s5 =	simm.s32 $0x9800  }
0x14d: {  	[tilespmem:s5], [sflag:$0x1] =	stream.indirect_vreg.gather [hbm4b:s16+s4], $0x80, v2, vm0, $0xb8;
	[tilespmem:$0x1C000] =	vst v63  }
0x14e: {  	s5 =	simm.s32 $0xA000  }
0x14f: {  	[tilespmem:s5], [sflag:$0x1] =	stream.indirect_vreg.gather [hbm4b:s26+s4], $0x80, v2, vm0, $0xb8;
	[tilespmem:$0x1C000] =	vst v63  }
0x150: {  	s5 =	simm.s32 $0xA800  }
0x151: {  	[tilespmem:s5], [sflag:$0x1] =	stream.indirect_vreg.gather [hbm4b:s18+s4], $0x80, v2, vm0, $0xb8;
	[tilespmem:$0x1C000] =	vst v63  }
0x152: {  	s5 =	simm.s32 $0xB000  }
0x153: {  	[tilespmem:s5], [sflag:$0x1] =	stream.indirect_vreg.gather [hbm4b:s20+s4], $0x80, v2, vm0, $0xb8;
	[tilespmem:$0x1C000] =	vst v63  }
0x154: {  	s5 =	simm.s32 $0xB800  }
0x155: {  	[tilespmem:s5], [sflag:$0x1] =	stream.indirect_vreg.gather [hbm4b:s28+s4], $0x80, v2, vm0, $0xb8;
	[tilespmem:$0x1C000] =	vst v63  }
0x156: {  	s5 =	sadd.s32 $0x28000, s23  }
0x157: {  	s5 =	sand.u32 $0x1FF0000, s5  }
0x158: {  	s23 =	smov.u32 s0;
	s0 =	simm.s32 $0x3;
	s5 =	sadd.s32 s25, s5  }
0x159: {  	_ =	swait.ge [sflag:s0], $0x8000;
	s3 =	sor.u32 s3, s5  }
0x15a: {  	[sflag:s0] =	ssyncset.done $0x0;
	s5 =	smov.u32 s30;
	s3 =	sshrl.u32 s3, $0x3  }
0x15b: {  	s30 =	simm.s32 $0x14000;
	[sflag:s0] =	ssyncadd.s32 $0xFFFF8000;
	s3 =	sadd.s32 s5, s3  }
0x15c: {  	[hbm4b:s3+s14] =	stream.strided.scatter [tilespmem:s30], [sflag:$0x6], $0x8000, s29, s14, $0x38;
	[tilespmem:$0x1C000] =	vst v63  }
0x15d: {  	s14 =	simm.s32 $0x5  }
0x15e: {  	_ =	swait.ge [sflag:s14], $0x8000  }
0x15f: {  	[sflag:s14] =	ssyncset.done $0x0  }
0x160: {  	[sflag:s14] =	ssyncadd.s32 $0xFFFF8000  }
0x161: {  	v2 =	vld.msk [tilespmem:s2+$0x380], $0xf;
	_ =	sdelay $0x4  }
0x162: {  	v3 =	vshll.u32 v2, $0x6  }
0x163: {  	v2 =	vand.u32 $0x7, v2;
	v3 =	vand.u32 $0xFFFFFE00, v3  }
0x164: {  	v2 =	vor.u32 v2, v3  }
0x165: {  	v2 =	vperm.xlane v2, v0;
	_ =	sdelay $0x1  }
0x166: {  	v2 =	vadd.s32 v1, v2;
	_ =	sdelay $0x4  }
0x167: {  	[tilespmem:s21], [sflag:$0x2] =	stream.indirect_vreg.gather [hbm4b:s22+s4], $0x80, v2, vm0, $0xb8;
	[tilespmem:$0x1C000] =	vst v63  }
0x168: {  	s21 =	simm.s32 $0xC800  }
0x169: {  	[tilespmem:s21], [sflag:$0x2] =	stream.indirect_vreg.gather [hbm4b:s6+s4], $0x80, v2, vm0, $0xb8;
	[tilespmem:$0x1C000] =	vst v63  }
0x16a: {  	s29 =	simm.s32 $0xD000  }
0x16b: {  	[tilespmem:s29], [sflag:$0x2] =	stream.indirect_vreg.gather [hbm4b:s9+s4], $0x80, v2, vm0, $0xb8;
	[tilespmem:$0x1C000] =	vst v63  }
0x16c: {  	s3 =	simm.s32 $0xD800  }
0x16d: {  	[tilespmem:s3], [sflag:$0x2] =	stream.indirect_vreg.gather [hbm4b:s7+s4], $0x80, v2, vm0, $0xb8;
	[tilespmem:$0x1C000] =	vst v63  }
0x16e: {  	s6 =	simm.s32 $0xE000  }
0x16f: {  	[tilespmem:s6], [sflag:$0x2] =	stream.indirect_vreg.gather [hbm4b:s11+s4], $0x80, v2, vm0, $0xb8;
	[tilespmem:$0x1C000] =	vst v63  }
0x170: {  	s7 =	simm.s32 $0xE800  }
0x171: {  	[tilespmem:s7], [sflag:$0x2] =	stream.indirect_vreg.gather [hbm4b:s8+s4], $0x80, v2, vm0, $0xb8;
	[tilespmem:$0x1C000] =	vst v63  }
0x172: {  	s8 =	simm.s32 $0xF000  }
0x173: {  	[tilespmem:s8], [sflag:$0x2] =	stream.indirect_vreg.gather [hbm4b:s13+s4], $0x80, v2, vm0, $0xb8;
	[tilespmem:$0x1C000] =	vst v63  }
0x174: {  	s9 =	simm.s32 $0xF800  }
0x175: {  	[tilespmem:s9], [sflag:$0x2] =	stream.indirect_vreg.gather [hbm4b:s10+s4], $0x80, v2, vm0, $0xb8;
	[tilespmem:$0x1C000] =	vst v63  }
0x176: {  	s10 =	simm.s32 $0x10000  }
0x177: {  	[tilespmem:s10], [sflag:$0x2] =	stream.indirect_vreg.gather [hbm4b:s17+s4], $0x80, v2, vm0, $0xb8;
	[tilespmem:$0x1C000] =	vst v63  }
0x178: {  	s11 =	simm.s32 $0x10800  }
0x179: {  	[tilespmem:s11], [sflag:$0x2] =	stream.indirect_vreg.gather [hbm4b:s12+s4], $0x80, v2, vm0, $0xb8;
	[tilespmem:$0x1C000] =	vst v63  }
0x17a: {  	s13 =	simm.s32 $0x11000  }
0x17b: {  	[tilespmem:s13], [sflag:$0x2] =	stream.indirect_vreg.gather [hbm4b:s19+s4], $0x80, v2, vm0, $0xb8;
	[tilespmem:$0x1C000] =	vst v63  }
0x17c: {  	s14 =	simm.s32 $0x11800  }
0x17d: {  	[tilespmem:s14], [sflag:$0x2] =	stream.indirect_vreg.gather [hbm4b:s16+s4], $0x80, v2, vm0, $0xb8;
	[tilespmem:$0x1C000] =	vst v63  }
0x17e: {  	s17 =	simm.s32 $0x12000  }
0x17f: {  	[tilespmem:s17], [sflag:$0x2] =	stream.indirect_vreg.gather [hbm4b:s26+s4], $0x80, v2, vm0, $0xb8;
	[tilespmem:$0x1C000] =	vst v63  }
0x180: {  	p0 =	sne.s32 s24, $0x3C0000;
	s19 =	simm.s32 $0x12800  }
0x181: {  	[tilespmem:s19], [sflag:$0x2] =	stream.indirect_vreg.gather [hbm4b:s18+s4], $0x80, v2, vm0, $0xb8;
	[tilespmem:$0x1C000] =	vst v63  }
.Ltmp0:
0x182: {  	s15 =	sadd.s32 $0x200, s15;
	(pc) =	sbr.rel @p0 .LBB2_2-.Ltmp0, $4  }
0x183: {  	s24 =	sadd.s32 $0x18000, s24;
	s31 =	sadd.s32 $0x600, s31;
	s26 =	simm.s32 $0x13000  }
0x184: {  	[tilespmem:s26], [sflag:$0x2] =	stream.indirect_vreg.gather [hbm4b:s20+s4], $0x80, v2, vm0, $0xb8;
	[tilespmem:$0x1C000] =	vst v63  }
0x185: {  	s1 =	simm.s32 $0x4000;
	s2 =	simm.s32 $0xC000;
	s29 =	simm.s32 $0x13800  }
0x186: {  	[tilespmem:s29], [sflag:$0x2] =	stream.indirect_vreg.gather [hbm4b:s28+s4], $0x80, v2, vm0, $0xb8;
	[tilespmem:$0x1C000] =	vst v63  }
0x187: {  	s0 =	simm.s32 $0x1  }
0x188: {  	_ =	swait.ge [sflag:s0], $0x8000  }
0x189: {  	s3 =	simm.s32 $0x400;
	s6 =	simm.s32 $0x200;
	[sflag:s0] =	ssyncset.done $0x0  }
0x18a: {  	s19 =	simm.s32 $0x2;
	s18 =	rddreg [dreg:$0x8];
	[sflag:s0] =	ssyncadd.s32 $0xFFFF8000  }
0x18b: {  	[hbm4b:s18+s6] =	stream.strided.scatter [tilespmem:s1], [sflag:$0x4], $0x8000, s3, s6, $0x38;
	[tilespmem:$0x1C000] =	vst v63  }
0x18c: {  	_ =	swait.ge [sflag:s19], $0x8000  }
0x18d: {  	[sflag:s19] =	ssyncset.done $0x0  }
0x18e: {  	s24 =	simm.s32 $0x4;
	s20 =	rddreg [dreg:$0x7];
	[sflag:s19] =	ssyncadd.s32 $0xFFFF8000  }
0x18f: {  	[hbm4b:s20+s6] =	stream.strided.scatter [tilespmem:s2], [sflag:$0x5], $0x8000, s3, s6, $0x38;
	[tilespmem:$0x1C000] =	vst v63  }
0x190: {  	_ =	swait.ge [sflag:s24], $0x8000  }
0x191: {  	[sflag:s24] =	ssyncset.done $0x0  }
0x192: {  	s25 =	simm.s32 $0x5;
	[sflag:s24] =	ssyncadd.s32 $0xFFFF8000  }
0x193: {  	_ =	swait.ge [sflag:s25], $0x8000  }
0x194: {  	[sflag:s25] =	ssyncset.done $0x0  }
0x195: {  	s26 =	simm.s32 $0x6;
	[sflag:s25] =	ssyncadd.s32 $0xFFFF8000  }
0x196: {  	_ =	swait.ge [sflag:s26], $0x8000  }
0x197: {  	s14 =	rddreg [dreg:$0xc]  }
0x198: {  	s29 =	rddreg [dreg:$0x9]  }
0x199: {  	s6 =	rddreg [dreg:$0x1b]  }
0x19a: {  	s7 =	rddreg [dreg:$0x19]  }
0x19b: {  	s8 =	rddreg [dreg:$0x1a]  }
0x19c: {  	s9 =	rddreg [dreg:$0x17]  }
0x19d: {  	s10 =	rddreg [dreg:$0x18]  }
0x19e: {  	s11 =	rddreg [dreg:$0x15]  }
0x19f: {  	s12 =	rddreg [dreg:$0x16]  }
0x1a0: {  	s13 =	rddreg [dreg:$0x13]  }
0x1a1: {  	s16 =	rddreg [dreg:$0x14];
	s14 =	sadd.s32 $0x1, s14  }
0x1a2: {  	s17 =	rddreg [dreg:$0x11];
	p0 =	sne.s32 s14, s29  }
.Ltmp1:
0x1a3: {  	s18 =	rddreg [dreg:$0x12];
	(pc) =	sbr.rel @p0 .LBB2_1-.Ltmp1, $4  }
0x1a4: {  	s15 =	simm.s32 $0x6000;
	s30 =	simm.s32 $0x7000;
	s19 =	rddreg [dreg:$0xf]  }
0x1a5: {  	s31 =	simm.s32 $0x7800;
	s2 =	simm.s32 $0x5000;
	s20 =	rddreg [dreg:$0x10]  }
0x1a6: {  	s3 =	simm.s32 $0x5800;
	[sflag:s26] =	ssyncset.done $0x0;
	s28 =	rddreg [dreg:$0xd]  }
0x1a7: {  	s24 =	simm.s32 $0x6800;
	[sflag:s26] =	ssyncadd.s32 $0xFFFF8000;
	s26 =	rddreg [dreg:$0xe]  }
0x1a8: {  	_ =	sfence.sel $0x180000  }
0x1a9: {  	[bflag:$0x0] =	sbarrier.arrive $0xFFFF  }
0x1aa: {  	_ =	strace $0x90000047  }
0x1ab: {  	s0 =	stileid.u32;
	[bflag:$0x2] =	sbarrier.arrive $0xFFFF  }
0x1ac: {  	p0 =	sne.s32 s0, $0x0;
	s0 =	rddreg [dreg:$0x3]  }
0x1ad: {  	s0 =	sadd.s32 @!p0 $0x100000, s0  }
0x1ae: {  	[sflag:s0] =	ssyncadd.tile.s32 @!p0 $0x1;
	_ =	shalt  }
.Lfunc_end2:
_tile_overlayer_lowered:
.L_overlay_start_2:
0x1af: {  	(tag) =	ssettag $0x2  }
0x1b0: {  	s0 =	rddreg [dreg:$0x0];
	s2 =	stileid.u32  }
0x1b1: {  	s1 =	rddreg [dreg:$0x1];
	p0 =	sne.s32 s2, $0x0  }
0x1b2: {  	s3 =	rddreg [dreg:$0x2];
	[bflag:$0x3] =	sbarrier.arrive $0xFFFF;
	s2 =	simm.s32 @!p0 $0x1C07  }
0x1b3: {  	[timem:s3], [sflag:s2] =	dma.local @!p0 [hbm:s0], s1  }
0x1b4: {  	s0 =	simm.s32 @!p0 $0x7  }
0x1b5: {  	_ =	swait.ge @!p0 [sflag:s0], s1  }
0x1b6: {  	s1 =	ssub.s32 @!p0 $0x0, s1;
	[sflag:s0] =	ssyncset.done @!p0 $0x0  }
0x1b7: {  	[sflag:s0] =	ssyncadd.s32 @!p0 s1  }
0x1b8: {  	[bflag:$0x3] =	sbarrier.arrive $0xFFFF  }
0x1b9: {  	_ =	shalt  }

</sc_bundles>
